<compile_context>
chip_gen: v7x
topology: tpu7x:2x2x1
jax: 0.10.2.dev20260603
libtpu: 0.0.44.dev20260713+nightly
codegen_flags: <defaults>
</compile_context>

<pallas_src>
import jax
import jax.numpy as jnp
import numpy as np
from jax.experimental import pallas as pl

E = 320000
RATIO = 0.8
K_STATIC = int(np.ceil(RATIO * E))
BLK = 8000


def _score_conv_kernel(xs_ref, xd_ref, ea_ref, w_ref, out_ref):
    e_blk = jnp.concatenate(
        [xs_ref[...], xd_ref[...], ea_ref[...]], axis=1)
    out_ref[...] = jax.lax.dot_general(
        e_blk, w_ref[...], (((1,), (0,)), ((), ())),
        preferred_element_type=jnp.float32)


def _score_conv(xs, xd, eab, w2):
    return pl.pallas_call(
        _score_conv_kernel,
        grid=(E // BLK,),
        in_specs=[
            pl.BlockSpec((BLK, 128), lambda i: (i, 0)),
            pl.BlockSpec((BLK, 128), lambda i: (i, 0)),
            pl.BlockSpec((BLK, 16), lambda i: (i, 0)),
            pl.BlockSpec((272, 2), lambda i: (0, 0)),
        ],
        out_specs=pl.BlockSpec((BLK, 2), lambda i: (i, 0)),
        out_shape=jax.ShapeDtypeStruct((E, 2), jnp.float32),
    )(xs, xd, eab, w2)


def kernel(x, edge_index, edge_attr, batch, Wf, bf, Ws, bs):
    src = edge_index[0]
    dst = edge_index[1]
    xb = x.astype(jnp.bfloat16)
    eab = edge_attr.astype(jnp.bfloat16)
    xs = xb[src]
    xd = xb[dst]
    lfls = _score_conv(xs, xd, eab, jnp.concatenate([Wf, Ws], axis=1))
    raw = jax.nn.sigmoid(lfls[:, 0] + bf[0]) * jax.nn.softplus(lfls[:, 1] + bs[0])
    kint = jax.lax.bitcast_convert_type(raw, jnp.int32)
    perm = jnp.argsort(-kint)[:K_STATIC]
    edge_score = raw[perm][:, None]
    edge_attr_out = edge_attr[perm]
    edge_index_out = edge_index[:, perm]
    return (edge_index_out, edge_attr_out, edge_score)

# --- scband reference (transcript-rebuilt; emitter-appended) ---
"""Pipeline reference for scband-edge-pooling-56951266345245 (READ-ONLY COPY).

The authoritative reference and input builder live on the scoring server;
editing this copy changes nothing except your own understanding.
"""

import jax, jax.numpy as jnp
import numpy as np

N = 10000
E = 320000
C = 128
CE = 16
RATIO = 0.8


def setup_inputs(seed: int = 0) -> dict:
    key = jax.random.key(seed)
    ks = jax.random.split(key, 8)
    x = jax.random.normal(ks[0], (N, C), dtype=jnp.float32)
    edge_index = jax.random.randint(ks[1], (2, E), 0, N, dtype=jnp.int32)
    edge_attr = jax.random.normal(ks[2], (E, CE), dtype=jnp.float32)
    batch = jnp.zeros((N,), dtype=jnp.int32)
    d_in = 2 * C + CE
    Wf = jax.random.normal(ks[3], (d_in, 1), dtype=jnp.float32) * 0.05
    bf = jnp.zeros((1,), dtype=jnp.float32)
    Ws = jax.random.normal(ks[4], (d_in, 1), dtype=jnp.float32) * 0.05
    bs = jnp.zeros((1,), dtype=jnp.float32)
    return {"x": x, "edge_index": edge_index, "edge_attr": edge_attr, "batch": batch,
            "Wf": Wf, "bf": bf, "Ws": Ws, "bs": bs}


def reference(x, edge_index, edge_attr, batch, Wf, bf, Ws, bs):
    src = edge_index[0]
    dst = edge_index[1]
    # e = cat([x[src], x[dst], edge_attr]); score = sigmoid(lin_f(e)) * softplus(lin_s(e))
    e = jnp.concatenate([x[src], x[dst], edge_attr], axis=-1)
    raw = jax.nn.sigmoid(e @ Wf + bf) * jax.nn.softplus(e @ Ws + bs)  # [E, 1]
    # dropout p=0.0 in eval -> no-op
    # choose_edges
    edge_batch = batch[dst]
    B = 1
    num_edges = jax.ops.segment_sum(jnp.ones_like(edge_batch), edge_batch, num_segments=B)
    max_num_edges = edge_batch.shape[0]
    cum_num_edges = jnp.concatenate([jnp.zeros((1,), num_edges.dtype), jnp.cumsum(num_edges)[:-1]], axis=0)
    index = jnp.arange(edge_batch.shape[0], dtype=jnp.int32) - cum_num_edges[edge_batch] + edge_batch * max_num_edges
    dense_edge = jnp.full((B * max_num_edges, 1), jnp.finfo(raw.dtype).min, dtype=raw.dtype)
    dense_edge = dense_edge.at[index].set(raw)
    dense_edge = dense_edge.reshape(B, max_num_edges)
    perm = jnp.argsort(-dense_edge, axis=-1)  # descending sort permutation
    perm = perm + cum_num_edges.reshape(-1, 1)
    perm = perm.reshape(-1)
    k = jnp.ceil(RATIO * num_edges.astype(jnp.float32)).astype(jnp.int32)
    k_static = int(np.ceil(RATIO * max_num_edges))
    mask = jnp.concatenate([jnp.arange(k_static, dtype=jnp.int32) + i * max_num_edges for i in range(B)], axis=0)
    perm = perm[mask]
    edge_score = raw[perm]
    edge_attr_out = edge_attr[perm]
    edge_index_out = jnp.stack([src[perm], dst[perm]])
    return (edge_index_out, edge_attr_out, edge_score)

if __name__ == "__main__":
    import jax
    _d = setup_inputs()
    print(jax.jit(kernel)(*tuple(_d.values())))

</pallas_src>

<mosaic_0001>
module attributes {stable_mosaic.version = 14 : i64} {
  func.func @_score_conv_kernel(%arg0: i32, %arg1: memref<8000x128xbf16, #tpu.memory_space<vmem>>, %arg2: memref<8000x128xbf16, #tpu.memory_space<vmem>>, %arg3: memref<8000x16xbf16, #tpu.memory_space<vmem>>, %arg4: memref<272x2xf32, #tpu.memory_space<vmem>>, %arg5: memref<8000x2xf32, #tpu.memory_space<vmem>>) attributes {dimension_semantics = [#tpu.dimension_semantics<arbitrary>], iteration_bounds = array<i64: 40>, scalar_prefetch = 0 : i64, scratch_operands = 0 : i64, tpu.core_type = #tpu.core_type<tc>, window_params = [{transform_indices = @transform_0, window_bounds = array<i64: 8000, 128>}, {transform_indices = @transform_1, window_bounds = array<i64: 8000, 128>}, {transform_indices = @transform_2, window_bounds = array<i64: 8000, 16>}, {pipeline_mode = #tpu.pipeline_mode<synchronous>, transform_indices = @transform_3, window_bounds = array<i64: 272, 2>}, {transform_indices = @transform_4, window_bounds = array<i64: 8000, 2>}]} {
    %get3A = arith.constant 0 : index
    %get3A_0 = arith.constant 0 : index
    %get3A_1 = vector.load %arg1[%get3A, %get3A_0] : memref<8000x128xbf16, #tpu.memory_space<vmem>>, vector<8000x128xbf16>
    %get3A_2 = arith.constant 0 : index
    %get3A_3 = arith.constant 0 : index
    %get3A_4 = vector.load %arg2[%get3A_2, %get3A_3] : memref<8000x128xbf16, #tpu.memory_space<vmem>>, vector<8000x128xbf16>
    %get3A_5 = arith.constant 0 : index
    %get3A_6 = arith.constant 0 : index
    %get3A_7 = vector.load %arg3[%get3A_5, %get3A_6] : memref<8000x16xbf16, #tpu.memory_space<vmem>>, vector<8000x16xbf16>
    %concatenate3A = tpu.concatenate %get3A_1, %get3A_4, %get3A_7 in 1 : vector<8000x128xbf16>, vector<8000x128xbf16>, vector<8000x16xbf16> -> vector<8000x272xbf16>
    %get3A_8 = arith.constant 0 : index
    %get3A_9 = arith.constant 0 : index
    %get3A_10 = vector.load %arg4[%get3A_8, %get3A_9] : memref<272x2xf32, #tpu.memory_space<vmem>>, vector<272x2xf32>
    %dot_general3A = arith.constant dense<0.000000e+00> : vector<8000x2xf32>
    %dot_general3A_11 = tpu.matmul %concatenate3A, %get3A_10, %dot_general3A {dimension_numbers = #tpu.dot_dimension_numbers<[1], [0], [0], [1], [0, 0, 1, 1], [], []>, transpose_lhs_hint = false} : vector<8000x272xbf16>, vector<272x2xf32>, vector<8000x2xf32> -> vector<8000x2xf32>
    %swap3A = arith.constant 0 : index
    %swap3A_12 = arith.constant 0 : index
    %swap3A_13 = vector.load %arg5[%swap3A, %swap3A_12] : memref<8000x2xf32, #tpu.memory_space<vmem>>, vector<8000x2xf32>
    tpu.vector_store %arg5[%swap3A, %swap3A_12], %dot_general3A_11 {strides = array<i32>} : memref<8000x2xf32, #tpu.memory_space<vmem>>, vector<8000x2xf32>,
    return
  }
  func.func @transform_0(%arg0: i32) -> (i32, i32) {
    %c0_i32 = arith.constant 0 : i32
    %c0_i32_0 = arith.constant 0 : i32
    return %arg0, %c0_i32 : i32, i32
  }
  func.func @transform_1(%arg0: i32) -> (i32, i32) {
    %c0_i32 = arith.constant 0 : i32
    %c0_i32_0 = arith.constant 0 : i32
    return %arg0, %c0_i32 : i32, i32
  }
  func.func @transform_2(%arg0: i32) -> (i32, i32) {
    %c0_i32 = arith.constant 0 : i32
    %c0_i32_0 = arith.constant 0 : i32
    return %arg0, %c0_i32 : i32, i32
  }
  func.func @transform_3(%arg0: i32) -> (i32, i32) {
    %c0_i32 = arith.constant 0 : i32
    %c0_i32_0 = arith.constant 0 : i32
    %c0_i32_1 = arith.constant 0 : i32
    return %c0_i32, %c0_i32_0 : i32, i32
  }
  func.func @transform_4(%arg0: i32) -> (i32, i32) {
    %c0_i32 = arith.constant 0 : i32
    %c0_i32_0 = arith.constant 0 : i32
    return %arg0, %c0_i32 : i32, i32
  }
}

</mosaic_0001>

<sc_bundles>
// kernel: gather_offload_async_start.1
scs
__scs_entry_jumppad:
0x0: {  	(pc) =	sbr.rel $0x88, $3  }
0x1: {  	(tag) =	ssettag $0x0;
	lr =	simm.s32 $0x1  }
0x2: {  	[smem:$0x3F9A] =	sst lr;
	_ =	strace $0xD0000000  }
0x3: {  	_ = 	snop  }
0x4: {  	_ = 	snop  }
0x5: {  	_ = 	snop  }
0x6: {  	_ = 	snop  }
0x7: {  	_ = 	snop  }
__scs_overlays_trampoline_lowered:
0x8: {  	[smem:$0x3FA9] =	sst s0  }
0x9: {  	[smem:$0x3FAA] =	sst s1  }
0xa: {  	[smem:$0x3FAB] =	sst s2  }
0xb: {  	[smem:$0x3FAC] =	sst s3  }
0xc: {  	[smem:$0x3FAD] =	sst s4  }
0xd: {  	[smem:$0x3FAE] =	sst s5  }
0xe: {  	[smem:$0x3FAF] =	sst s6  }
0xf: {  	[smem:$0x3FB0] =	sst s7  }
0x10: {  	[smem:$0x3FB1] =	sst s8  }
0x11: {  	[smem:$0x3FB2] =	sst s9;
	s0 =	simm.s32 @!p0 $0x0  }
0x12: {  	s1 =	sld [smem:$0x3F98];
	s0 =	simm.s32 @p0 $0x1  }
0x13: {  	[smem:$0x3FB3] =	sst s0;
	s0 =	simm.s32 @!p1 $0x0  }
0x14: {  	s2 =	sld [smem:$0x3F97];
	s0 =	simm.s32 @p1 $0x1  }
0x15: {  	[smem:$0x3FB4] =	sst s0;
	s0 =	simm.s32 @!p2 $0x0  }
0x16: {  	s3 =	sld [smem:$0x3FDB];
	s0 =	simm.s32 @p2 $0x1  }
0x17: {  	s4 =	simm.s32 $0x1BF5;
	[smem:$0x3FB6] =	sst s0  }
0x18: {  	s0 =	sld [smem:$0x3F99];
	_ =	swait.ge [sflag:s4], $0x0  }
0x19: {  	s7 =	sld [smem:$0x3F9A]  }
0x1a: {  	s8 =	sadd.s32 $0xFFFFE003, lr  }
0x1b: {  	s9 =	sadd.s32 $0xFFFFFEF7, lr;
	s5 =	simm.s32 $0xFFFFFFFF;
	p2 =	slt.u32 s8, $0xFFFFF086  }
0x1c: {  	p1 =	slt.u32 s9, $0xF7A;
	s5 =	simm.s32 @!p2 $0x0  }
0x1d: {  	s5 =	simm.s32 @p1 $0x1;
	p0 =	seq.s32 s7, s2  }
0x1e: {  	s7 =	smul.u32 @!p0 $0xF7A, s2;
	p2 =	seq.s32 @!p0 s5, $0x0  }
0x1f: {  	s9 =	smul.u32 $0xF7A, s1;
	s8 =	simm.s32 @!p0 $0x1BF5;
	p2 =	por !p2, p0  }
0x20: {  	[sflag:s8] =	ssyncset.s32 @!p0 $0xFFFFF086;
	s6 =	sadd.s32 @!p0 s3, s7;
	s7 =	simm.s32 @!p0 $0x108  }
0x21: {  	s3 =	sadd.s32 s3, s9;
	s6 =	sadd.s32 @!p0 $0x88, s6;
	s7 =	simm.s32 @p2 $0x1082  }
0x22: {  	[simem:s7], [sflag:s8] =	dma.local @!p0 [hbm:s6], $0xF7A  }
0x23: {  	s9 =	sor.u32 $0xD0000000, s2;
	s6 =	simm.s32 $0x108;
	_ =	swait.ge @!p0 [sflag:s8], $0x0  }
0x24: {  	s3 =	sadd.s32 $0x88, s3;
	s6 =	simm.s32 @!p1 $0x1082;
	[sflag:s4] =	ssyncset.s32 $0xFFFFF086  }
0x25: {  	[simem:s6], [sflag:s4] =	dma.local [hbm:s3], $0xF7A  }
0x26: {  	[smem:$0x3F9A] =	sst s1;
	(tag) =	ssettag s2;
	_ =	strace s9  }
0x27: {  	s1 =	sld [smem:$0x3FAA]  }
0x28: {  	s2 =	sld [smem:$0x3FAB]  }
0x29: {  	s4 =	sld [smem:$0x3FAD]  }
0x2a: {  	p0 =	seq.s32 s5, $0x0;
	s5 =	sld [smem:$0x3FAE]  }
0x2b: {  	s6 =	sld [smem:$0x3FAF]  }
0x2c: {  	s7 =	sld [smem:$0x3FB0]  }
0x2d: {  	s3 =	simm.s32 $0x108;
	s8 =	sld [smem:$0x3FB1]  }
0x2e: {  	s3 =	simm.s32 @!p0 $0x1082;
	s9 =	sld [smem:$0x3FB2]  }
0x2f: {  	lr =	sadd.s32 s0, s3;
	s0 =	sld [smem:$0x3FA9]  }
0x30: {  	s3 =	sld [smem:$0x3FAC]  }
0x31: {  	[smem:$0x3FB5] =	sst s10  }
0x32: {  	s10 =	sld [smem:$0x3FB3];
	_ =	sdelay $0x3  }
0x33: {  	p0 =	seq.s32 s10, $0x1;
	s10 =	sld [smem:$0x3FB5];
	_ =	sdelay $0x3  }
0x34: {  	[smem:$0x3FB5] =	sst s10  }
0x35: {  	s10 =	sld [smem:$0x3FB4];
	_ =	sdelay $0x3  }
0x36: {  	p1 =	seq.s32 s10, $0x1;
	s10 =	sld [smem:$0x3FB5];
	_ =	sdelay $0x3  }
0x37: {  	[smem:$0x3FB5] =	sst s10  }
0x38: {  	s10 =	sld [smem:$0x3FB6]  }
0x39: {  	_ = 	snop;
	(pc) =	sbr.ind lr, $3  }
0x3a: {  	_ = 	snop  }
0x3b: {  	_ = 	snop  }
0x3c: {  	p2 =	seq.s32 s10, $0x1;
	s10 =	sld [smem:$0x3FB5]  }
0x3d: {  	_ =	shalt  }
0x3e: {  	_ =	shalt  }
0x3f: {  	_ =	shalt  }
0x40: {  	_ =	shalt  }
0x41: {  	_ =	shalt  }
0x42: {  	_ =	shalt  }
0x43: {  	_ =	shalt  }
0x44: {  	_ =	shalt  }
0x45: {  	_ =	shalt  }
0x46: {  	_ =	shalt  }
0x47: {  	_ =	shalt  }
0x48: {  	_ =	shalt  }
0x49: {  	_ =	shalt  }
0x4a: {  	_ =	shalt  }
0x4b: {  	_ =	shalt  }
0x4c: {  	_ =	shalt  }
0x4d: {  	_ =	shalt  }
0x4e: {  	_ =	shalt  }
0x4f: {  	_ =	shalt  }
0x50: {  	_ =	shalt  }
0x51: {  	_ =	shalt  }
0x52: {  	_ =	shalt  }
0x53: {  	_ =	shalt  }
0x54: {  	_ =	shalt  }
0x55: {  	_ =	shalt  }
0x56: {  	_ =	shalt  }
0x57: {  	_ =	shalt  }
0x58: {  	_ =	shalt  }
0x59: {  	_ =	shalt  }
0x5a: {  	_ =	shalt  }
0x5b: {  	_ =	shalt  }
0x5c: {  	_ =	shalt  }
0x5d: {  	_ =	shalt  }
0x5e: {  	_ =	shalt  }
0x5f: {  	_ =	shalt  }
0x60: {  	_ =	shalt  }
0x61: {  	_ =	shalt  }
0x62: {  	_ =	shalt  }
0x63: {  	_ =	shalt  }
0x64: {  	_ =	shalt  }
0x65: {  	_ =	shalt  }
0x66: {  	_ =	shalt  }
0x67: {  	_ =	shalt  }
0x68: {  	_ =	shalt  }
0x69: {  	_ =	shalt  }
0x6a: {  	_ =	shalt  }
0x6b: {  	_ =	shalt  }
0x6c: {  	_ =	shalt  }
0x6d: {  	_ =	shalt  }
0x6e: {  	_ =	shalt  }
0x6f: {  	_ =	shalt  }
0x70: {  	_ =	shalt  }
0x71: {  	_ =	shalt  }
0x72: {  	_ =	shalt  }
0x73: {  	_ =	shalt  }
0x74: {  	_ =	shalt  }
0x75: {  	_ =	shalt  }
0x76: {  	_ =	shalt  }
0x77: {  	_ =	shalt  }
0x78: {  	_ =	shalt  }
0x79: {  	_ =	shalt  }
0x7a: {  	_ =	shalt  }
0x7b: {  	_ =	shalt  }
0x7c: {  	_ =	shalt  }
0x7d: {  	_ =	shalt  }
0x7e: {  	_ =	shalt  }
0x7f: {  	_ =	shalt  }
0x80: {  	_ =	shalt  }
0x81: {  	_ =	shalt  }
0x82: {  	_ =	shalt  }
0x83: {  	_ =	shalt  }
0x84: {  	_ =	shalt  }
0x85: {  	_ =	shalt  }
0x86: {  	_ =	shalt  }
0x87: {  	_ =	shalt  }
.Lfunc_end0:
.L_simem_size_0:
called_computation.1_lowered:
.L_overlay_start_0:
0x88: {  	s2 =	sld [smem:$0x3FD9]  }
0x89: {  	s3 =	sld [smem:$0x3FFE];
	_ =	sdelay $0x1  }
0x8a: {  	s1 =	srdreg.scid  }
0x8b: {  	s0 =	sand.u32 $0x1, s1  }
0x8c: {  	s15 =	sshll.u32 s0, $0xA;
	s2 =	sadd.s32 s3, s2  }
0x8d: {  	s2 =	sadd.s32 s2, s15  }
0x8e: {  	[smem:$0x3FC1] =	sst s2  }
0x8f: {  	_ = 	snop  }
0x90: {  	s16 =	sld [smem:$0x3FD0];
	_ =	sdelay $0x2  }
0x91: {  	s4 =	simm.s32 $0xC;
	s5 =	simm.s32 $0x10;
	s2 =	sld [smem:$0x3FC7]  }
0x92: {  	[smem:s5], [sflag:s4] =	dma.local [hbm:s16], $0x1  }
0x93: {  	_ =	swait.eq [sflag:s4], $0x1  }
0x94: {  	[sflag:s4] =	ssyncset.done $0x0  }
0x95: {  	[sflag:s4] =	ssyncadd.s32 $0xFFFFFFFF  }
0x96: {  	s17 =	sld [smem:$0x11];
	(tm) =	ssettm $0x1  }
0x97: {  	s18 =	sld [smem:$0x3FFB];
	_ =	sdelay $0x3  }
0x98: {  	_ =	strace s18  }
0x99: {  	s3 =	sld [smem:$0x3FFC];
	_ =	sdelay $0x3  }
0x9a: {  	_ =	strace s3  }
0x9b: {  	s3 =	sld [smem:$0x3FFD];
	_ =	sdelay $0x3  }
0x9c: {  	_ =	strace s3  }
0x9d: {  	_ =	strace $0x8FFFFFFF  }
0x9e: {  	s19 =	sld [smem:$0x3FDB];
	_ =	sdelay $0x1  }
0x9f: {  	s20 =	simm.s32 $_scs_section_size  }
0xa0: {  	s6 =	simm.s32 $_size__tile_overlayer_lowered;
	s7 =	simm.s32 $_tile_overlayer_lowered  }
0xa1: {  	s8 =	simm.s32 $0x1BFF;
	s21 =	sshll.u32 s7, $0x1;
	s5 =	sadd.s32 s20, s19  }
0xa2: {  	s22 =	simm.s32 $0x0;
	s6 =	sshll.u32 s6, $0x1;
	s7 =	sadd.s32 s21, s5  }
0xa3: {  	[timem:s22], [sflag:s8] =	dma.local [hbm:s7], s6  }
0xa4: {  	_ =	swait.ge [sflag:s8], s6  }
0xa5: {  	s6 =	ssub.s32 $0x0, s6;
	[sflag:s8] =	ssyncset.done $0x0  }
0xa6: {  	[sflag:s8] =	ssyncadd.s32 s6;
	_ =	sdelay $0x1  }
0xa7: {  	s23 =	simm.s32 $0x1B8B  }
0xa8: {  	_ =	swait.ge [sflag:s23], $0x1  }
0xa9: {  	[sflag:s23] =	ssyncset.done $0x0  }
0xaa: {  	[sflag:s23] =	ssyncadd.s32 $0xFFFFFFFF  }
0xab: {  	s6 =	sld [smem:$0x0]  }
0xac: {  	s7 =	sand.u32 $0xFFFFFFFE, s1  }
0xad: {  	p0 =	sne.s32 s1, s7  }
0xae: {  	s7 =	sshll.u32 @p0 s7, $0xE  }
0xaf: {  	s7 =	sadd.s32 @p0 $0x11B8D, s7;
	s8 =	sshll.u32 @p0 s6, $0x11  }
0xb0: {  	s7 =	sor.u32 @p0 s8, s7  }
0xb1: {  	[sflag:s7] =	ssyncadd.remote.s32 @p0 $0x1;
	_ =	sdelay $0x1  }
0xb2: {  	s7 =	simm.s32 @p0 $0x1B8D  }
0xb3: {  	_ =	swait.eq @p0 [sflag:s7], $0x1  }
0xb4: {  	[sflag:s7] =	ssyncadd.s32 @p0 $0xFFFFFFFF  }
0xb5: {  	s8 =	sshll.u32 @!p0 s1, $0xE  }
0xb6: {  	s8 =	sor.u32 @!p0 $0x4000, s8;
	s7 =	simm.s32 @!p0 $0x1B8D  }
0xb7: {  	s6 =	sshll.u32 @!p0 s6, $0x11;
	s8 =	sadd.s32 @!p0 $0x11B8D, s8;
	_ =	swait.eq @!p0 [sflag:s7], $0x1  }
0xb8: {  	s6 =	sor.u32 @!p0 s6, s8;
	[sflag:s7] =	ssyncadd.s32 @!p0 $0xFFFFFFFF  }
0xb9: {  	s25 =	simm.s32 $0x1B8E;
	s24 =	sld [smem:$0x3FFE];
	[sflag:s6] =	ssyncadd.remote.s32 @!p0 $0x1  }
0xba: {  	s26 =	simm.s32 $execute0_lowered;
	[smem:$0x3FD2] =	sst s25  }
0xbb: {  	s7 =	sshll.u32 s26, $0x1;
	_ =	strace $0x8000004C;
	[dreg:$0x1] =	wrdreg $0xFFFFFFFF  }
0xbc: {  	s28 =	simm.s32 $_size_execute0_lowered;
	s5 =	sadd.s32 s5, s7;
	[dreg:$0x0] =	wrdreg $0x0  }
0xbd: {  	s7 =	sshll.u32 s28, $0x1;
	[dreg:$0x2] =	wrdreg s5  }
0xbe: {  	[dreg:$0x3] =	wrdreg s7  }
0xbf: {  	[dreg:$0x4] =	wrdreg $0xC0  }
0xc0: {  	_ =	task [dreg:s22], $0x5FFFF  }
0xc1: {  	[dreg:$0x1] =	wrdreg $0xFFFFFFFF  }
0xc2: {  	[dreg:$0x0] =	wrdreg $0x60  }
0xc3: {  	[dreg:$0x2] =	wrdreg s2  }
0xc4: {  	[dreg:$0x3] =	wrdreg s24  }
0xc5: {  	[dreg:$0x4] =	wrdreg s17  }
0xc6: {  	[dreg:$0x5] =	wrdreg $0xA  }
0xc7: {  	_ =	task.clear_ibuf [dreg:s22], $0x6FFFF;
	_ =	strace $0x9000004C  }
0xc8: {  	s29 =	simm.s32 $0xA;
	_ =	strace $0x8000004E  }
0xc9: {  	_ =	swait.ge [sflag:s29], $0x1  }
0xca: {  	[sflag:s29] =	ssyncadd.s32 $0xFFFFFFFF  }
0xcb: {  	_ =	strace $0x9000004E  }
0xcc: {  	_ =	sfence  }
0xcd: {  	s30 =	sld [smem:$0x0];
	_ =	sdelay $0x2  }
0xce: {  	s31 =	sshll.u32 s1, $0xD;
	s1 =	sshrl.u32 s1, $0x2  }
0xcf: {  	s4 =	sand.u32 $0x4000, s31;
	s1 =	sadd.s32 s1, s30  }
0xd0: {  	s0 =	sor.u32 s4, s0;
	s1 =	sshll.u32 s1, $0x11  }
0xd1: {  	s0 =	sor.u32 s1, s0  }
0xd2: {  	s0 =	sadd.s32 $0x8F2B, s0  }
0xd3: {  	[sflag:s0] =	ssyncadd.remote.s32 $0x1  }
0xd4: {  	_ =	sfence.sel $0xFFFF  }
0xd5: {  	[dreg:$0x0] =	wrdreg $0xFFFFFFFF;
	(pc) =	sbr.abs _section_cstart, $3  }
0xd6: {  	[dreg:$0x1] =	wrdreg $0xFFFFFFFF  }
0xd7: {  	_ =	task.clear_ibuf [dreg:s22], $0x2FFFF;
	_ =	strace $0x9FFFFFFF  }
0xd8: {  	(tm) =	ssettm $0x7FFFFFFF  }
0xd9: {  	_ =	shalt  }
tec
execute0_lowered:
.L_overlay_start_1:
0x0: {  	(tag) =	ssettag $0x1  }
0x1: {  	s0 =	stileid.u32;
	s1 =	srdreg.scid  }
0x2: {  	s1 =	sand.u32 $0x1, s1;
	s2 =	sshll.u32 s0, $0x1  }
0x3: {  	s1 =	sor.u32 s2, s1  }
0x4: {  	s2 =	smul.u32 $0xC80, s1;
	_ =	sdelay $0x1  }
0x5: {  	s3 =	rddreg [dreg:$0x0];
	s7 =	ssub.s32 $0x3E800, s2  }
0x6: {  	s8 =	rddreg [dreg:$0x1];
	s5 =	smulhi.u32 $0x51EB9, s7  }
0x7: {  	s4 =	rddreg [dreg:$0x2];
	s6 =	simm.s32 $0x2;
	s11 =	simm.s32 $0x3  }
0x8: {  	s14 =	simm.s32 $0x0;
	s13 =	simm.s32 $0x0;
	s9 =	sshrl.u32 s5, $0x3  }
0x9: {  	s1 =	rddreg [dreg:$0x3];
	_ =	strace $0x8000004D;
	s10 =	smul.u32 $0x19000, s9  }
.Ltmp0:
0xa: {  	s12 =	smov.u32 s2;
	s5 =	simm.s32 $0x1;
	(pc) =	sbr.rel .LBB2_1-.Ltmp0, $4  }
0xb: {  	[sflag:s5] =	ssyncpa.u1 $0x0;
	p0 =	sne.s32 s7, s10;
	s10 =	simm.s32 $0x1  }
0xc: {  	[sflag:s6] =	ssyncpa.u1 $0x0;
	s7 =	sadd.s32 $0x9E00, s8;
	s10 =	simm.s32 @!p0 $0x0  }
0xd: {  	[sflag:s11] =	ssyncpa.u1 $0x0;
	s11 =	simm.s32 $0x0;
	s8 =	sadd.s32 s10, s9  }
0xe: {  	vm0 =	vmmov $0xffff;
	v0 =	vlaneseq.u32;
	p0 =	por $0x0, $0x0;
	s9 =	sadd.s32 $0x3E800, s4;
	s10 =	sadd.s32 $0x1, s8  }
.LBB2_4:
0xf: {  	_ =	sdelay $0x1  }
0x10: {  	(ifvalue) =	ssetifvalue $0x7FFFFFFF  }
0x11: {  	s17 =	sshll.u32 s14, $0x3;
	(ifvalue) =	ssetifvalue $0x7FFFFFFF  }
0x12: {  	[tilespmem:s23], [sflag:$0x1] =	stream.indirect_vreg.gather [hbm4b:s3+s11], $0x1, v1, vm0, $0x4038;
	[tilespmem:$0x1A900] =	vst v63  }
0x13: {  	s30 =	sand.u32 $0x78, s14;
	s17 =	sand.u32 $0xFFFFFC00, s17  }
0x14: {  	_ =	swait.ge [sflag:s5], $0xC800;
	s14 =	sor.u32 s30, s17  }
0x15: {  	[sflag:s5] =	ssyncset.done $0x0;
	s14 =	sshrl.u32 s14, $0x3  }
0x16: {  	[sflag:s5] =	ssyncadd.s32 $0xFFFF3800;
	s31 =	sadd.s32 s4, s14  }
0x17: {  	[hbm:s31] =	stream.linear.scatter [tilespmem:s16], [sflag:$0x3], $0x6400, $0x38;
	[tilespmem:$0x1A900] =	vst v63  }
0x18: {  	s15 =	sadd.s32 $0x7D00, s15;
	s14 =	sadd.s32 s14, s9  }
0x19: {  	[hbm:s14] =	stream.linear.scatter [tilespmem:s15], [sflag:$0x3], $0x6400, $0x38;
	[tilespmem:$0x1A900] =	vst v63  }
.LBB2_5:
0x1a: {  	s16 =	sadd.s32 $0x19000, s12  }
0x1b: {  	p2 =	sgt.s32 s16, $0x3E7FF  }
0x1c: {  	s16 =	smov.u32 @p2 s2;
	p2 =	sne.s32 s13, s10  }
.Ltmp1:
0x1d: {  	p1 =	slt.u32 s13, $0x2;
	(pc) =	sbr.rel @!p2 .LBB2_6-.Ltmp1, $4  }
0x1e: {  	s15 =	simm.s32 @!p1 $0x3  }
0x1f: {  	s17 =	sadd.s32 $0x1, s13;
	_ =	swait.ge @!p1 [sflag:s15], $0xC800  }
0x20: {  	s14 =	smov.u32 s12;
	p0 =	por !p0, !p0;
	[sflag:s15] =	ssyncset.done @!p1 $0x0  }
0x21: {  	s13 =	smov.u32 s17;
	s12 =	smov.u32 s16;
	[sflag:s15] =	ssyncadd.s32 @!p1 $0xFFFF3800  }
.LBB2_1:
0x22: {  	p1 =	sge.u32 s13, s8  }
0x23: {  	s15 =	sxor.u32 @!p1 $0xFFFFFFFF, s13  }
0x24: {  	s15 =	sand.u32 @!p1 $0x1, s15  }
0x25: {  	s15 =	smul.u32 @!p1 $0x3200, s15  }
0x26: {  	s31 =	sadd.s32 $0xFFFFFFFF, s13;
	s16 =	sshrl.u32 @!p1 s12, $0x3  }
0x27: {  	s17 =	sand.u32 @!p1 $0x7, s12;
	s16 =	sadd.s32 @!p1 s7, s16;
	s15 =	sshrl.u32 @!p1 s15, $0x2  }
0x28: {  	[tilespmem:s15], [sflag:$0x2] =	stream.linear.gather @!p1 [hbm4b:s16+s17], $0xC80, $0x38;
	[tilespmem:$0x1A900] =	vst v63  }
0x29: {  	p1 =	sge.u32 s31, s8  }
.Ltmp2:
0x2a: {  	_ = 	snop;
	(pc) =	sbr.rel @p1 .LBB2_5-.Ltmp2, $1  }
0x2b: {  	_ =	sdelay $0x3  }
0x2c: {  	s15 =	simm.s32 $0x1  }
0x2d: {  	s15 =	simm.s32 @!p0 $0x0  }
0x2e: {  	_ =	swait.ge [sflag:s6], $0xC80;
	s15 =	smul.u32 $0x3200, s15  }
0x2f: {  	[sflag:s6] =	ssyncset.done $0x0  }
0x30: {  	[sflag:s6] =	ssyncadd.s32 $0xFFFFF380;
	s19 =	sshrl.u32 s15, $0x2  }
0x31: {  	v1 =	vld.msk [tilespmem:s19+$0x0 ss:$0x1], $0xffff;
	_ =	sdelay $0x2  }
0x32: {  	s20 =	ssub.s32 $0x3E800, s14  }
0x33: {  	p1 =	slt.s32 s20, $0xC80  }
0x34: {  	s20 =	simm.s32 @!p1 $0xC80;
	vm1 =	vgt.s32 v1, $0x0  }
0x35: {  	p1 =	sgt.s32 s20, $0x0;
	s15 =	smov.u32 s20;
	v1 =	vnsel vm1, $0x0, v1  }
0x36: {  	s15 =	simm.s32 @!p1 $0x0;
	v1 =	vmin.u32 v1, $0x4E1FF  }
0x37: {  	s15 =	smin.u32 s15, $0x10;
	v2 =	vshll.u32 v1, $0x3  }
0x38: {  	s16 =	sand.u32 $0x1, s13;
	v3 =	vmov s15;
	v1 =	vand.u32 $0x7F, v1;
	v2 =	vand.u32 $0x3FFC00, v2  }
0x39: {  	s26 =	smul.u32 $0x32000, s16;
	vm1 =	vgt.u32 v3, v0;
	v1 =	vor.u32 v1, v2  }
0x3a: {  	v2 =	vnsel vm1, $0x7FFFFFFF, v1  }
0x3b: {  	s18 =	simm.s32 $0x0;
	s15 =	sshrl.u32 s26, $0x2  }
0x3c: {  	s17 =	simm.s32 $0x0;
	s18 =	sand.u32 $0x7C00, s18;
	s16 =	sadd.s32 $0x1900, s15;
	v3 =	vor.u32 $0x80, v1  }
0x3d: {  	s21 =	sand.u32 $0x70, s17;
	(ifvalue) =	ssetifvalue $0x7FFFFFFF;
	s18 =	sadd.s32 s18, s16;
	v3 =	vnsel vm1, $0x7FFFFFFF, v3  }
0x3e: {  	(ifvalue) =	ssetifvalue $0x7FFFFFFF;
	s21 =	sadd.s32 s21, s18  }
0x3f: {  	v4 =	vor.u32 $0x100, v1;
	[tilespmem:s21], [sflag:$0x1] =	stream.indirect_vreg.gather [hbm4b:s3+s11], $0x1, v2, vm0, $0x4038;
	[tilespmem:$0x1A900] =	vst v63  }
0x40: {  	v2 =	vnsel vm1, $0x7FFFFFFF, v4;
	(ifvalue) =	ssetifvalue $0x7FFFFFFF  }
0x41: {  	s18 =	sadd.s32 $0x80, s21;
	(ifvalue) =	ssetifvalue $0x7FFFFFFF  }
0x42: {  	v52 =	vor.u32 $0x180, v1;
	[tilespmem:s18], [sflag:$0x1] =	stream.indirect_vreg.gather [hbm4b:s3+s11], $0x1, v3, vm0, $0x4038;
	[tilespmem:$0x1A900] =	vst v63  }
0x43: {  	v3 =	vnsel vm1, $0x7FFFFFFF, v52;
	(ifvalue) =	ssetifvalue $0x7FFFFFFF  }
0x44: {  	s28 =	sadd.s32 $0x100, s21;
	(ifvalue) =	ssetifvalue $0x7FFFFFFF  }
0x45: {  	v53 =	vor.u32 $0x200, v1;
	[tilespmem:s28], [sflag:$0x1] =	stream.indirect_vreg.gather [hbm4b:s3+s11], $0x1, v2, vm0, $0x4038;
	[tilespmem:$0x1A900] =	vst v63  }
0x46: {  	v2 =	vnsel vm1, $0x7FFFFFFF, v53;
	(ifvalue) =	ssetifvalue $0x7FFFFFFF  }
0x47: {  	s29 =	sadd.s32 $0x180, s21;
	(ifvalue) =	ssetifvalue $0x7FFFFFFF  }
0x48: {  	v54 =	vor.u32 $0x280, v1;
	[tilespmem:s29], [sflag:$0x1] =	stream.indirect_vreg.gather [hbm4b:s3+s11], $0x1, v3, vm0, $0x4038;
	[tilespmem:$0x1A900] =	vst v63  }
0x49: {  	v3 =	vnsel vm1, $0x7FFFFFFF, v54;
	(ifvalue) =	ssetifvalue $0x7FFFFFFF  }
0x4a: {  	s30 =	sadd.s32 $0x200, s21;
	(ifvalue) =	ssetifvalue $0x7FFFFFFF  }
0x4b: {  	v55 =	vor.u32 $0x300, v1;
	[tilespmem:s30], [sflag:$0x1] =	stream.indirect_vreg.gather [hbm4b:s3+s11], $0x1, v2, vm0, $0x4038;
	[tilespmem:$0x1A900] =	vst v63  }
0x4c: {  	v2 =	vnsel vm1, $0x7FFFFFFF, v55;
	(ifvalue) =	ssetifvalue $0x7FFFFFFF  }
0x4d: {  	s31 =	sand.u32 $0x7, s17;
	s22 =	sadd.s32 $0x280, s21;
	(ifvalue) =	ssetifvalue $0x7FFFFFFF  }
0x4e: {  	v56 =	vor.u32 $0x380, v1;
	[tilespmem:s22], [sflag:$0x1] =	stream.indirect_vreg.gather [hbm4b:s3+s11], $0x1, v3, vm0, $0x4038;
	[tilespmem:$0x1A900] =	vst v63  }
0x4f: {  	s18 =	sshll.u32 s31, $0x4;
	v3 =	vnsel vm1, $0x7FFFFFFF, v56;
	(ifvalue) =	ssetifvalue $0x7FFFFFFF  }
0x50: {  	s23 =	sadd.s32 $0x300, s21;
	s18 =	sadd.s32 $0x0, s18;
	(ifvalue) =	ssetifvalue $0x7FFFFFFF  }
0x51: {  	v57 =	vadd.s32 $0x271000, v1;
	[tilespmem:s23], [sflag:$0x1] =	stream.indirect_vreg.gather [hbm4b:s3+s11], $0x1, v2, vm0, $0x4038;
	[tilespmem:$0x1A900] =	vst v63  }
0x52: {  	s18 =	sor.u32 $0x380, s18;
	v2 =	vnsel vm1, $0x7FFFFFFF, v57;
	(ifvalue) =	ssetifvalue $0x7FFFFFFF  }
0x53: {  	s18 =	sadd.s32 s18, s16;
	(ifvalue) =	ssetifvalue $0x7FFFFFFF  }
0x54: {  	v58 =	vadd.s32 $0x271080, v1;
	[tilespmem:s18], [sflag:$0x1] =	stream.indirect_vreg.gather [hbm4b:s3+s11], $0x1, v3, vm0, $0x4038;
	[tilespmem:$0x1A900] =	vst v63  }
0x55: {  	v3 =	vnsel vm1, $0x7FFFFFFF, v58;
	(ifvalue) =	ssetifvalue $0x7FFFFFFF  }
0x56: {  	s24 =	sadd.s32 $0x6400, s21;
	(ifvalue) =	ssetifvalue $0x7FFFFFFF  }
0x57: {  	v59 =	vadd.s32 $0x271100, v1;
	[tilespmem:s24], [sflag:$0x1] =	stream.indirect_vreg.gather [hbm4b:s3+s11], $0x1, v2, vm0, $0x4038;
	[tilespmem:$0x1A900] =	vst v63  }
0x58: {  	v2 =	vnsel vm1, $0x7FFFFFFF, v59;
	(ifvalue) =	ssetifvalue $0x7FFFFFFF  }
0x59: {  	s25 =	sadd.s32 $0x6480, s21;
	(ifvalue) =	ssetifvalue $0x7FFFFFFF  }
0x5a: {  	v60 =	vadd.s32 $0x271180, v1;
	[tilespmem:s25], [sflag:$0x1] =	stream.indirect_vreg.gather [hbm4b:s3+s11], $0x1, v3, vm0, $0x4038;
	[tilespmem:$0x1A900] =	vst v63  }
0x5b: {  	v3 =	vnsel vm1, $0x7FFFFFFF, v60;
	(ifvalue) =	ssetifvalue $0x7FFFFFFF  }
0x5c: {  	s26 =	sadd.s32 $0x6500, s21;
	(ifvalue) =	ssetifvalue $0x7FFFFFFF  }
0x5d: {  	v61 =	vadd.s32 $0x271200, v1;
	[tilespmem:s26], [sflag:$0x1] =	stream.indirect_vreg.gather [hbm4b:s3+s11], $0x1, v2, vm0, $0x4038;
	[tilespmem:$0x1A900] =	vst v63  }
0x5e: {  	v2 =	vnsel vm1, $0x7FFFFFFF, v61;
	(ifvalue) =	ssetifvalue $0x7FFFFFFF  }
0x5f: {  	s28 =	sadd.s32 $0x6580, s21;
	(ifvalue) =	ssetifvalue $0x7FFFFFFF  }
0x60: {  	v62 =	vadd.s32 $0x271280, v1;
	[tilespmem:s28], [sflag:$0x1] =	stream.indirect_vreg.gather [hbm4b:s3+s11], $0x1, v3, vm0, $0x4038;
	[tilespmem:$0x1A900] =	vst v63  }
0x61: {  	v3 =	vnsel vm1, $0x7FFFFFFF, v62;
	(ifvalue) =	ssetifvalue $0x7FFFFFFF  }
0x62: {  	s29 =	sadd.s32 $0x6600, s21;
	(ifvalue) =	ssetifvalue $0x7FFFFFFF  }
0x63: {  	v63 =	vadd.s32 $0x271300, v1;
	[tilespmem:s29], [sflag:$0x1] =	stream.indirect_vreg.gather [hbm4b:s3+s11], $0x1, v2, vm0, $0x4038;
	[tilespmem:$0x1A900] =	vst v63  }
0x64: {  	s20 =	sadd.s32 $0xFFFFFFF0, s20;
	s19 =	sadd.s32 $0x10, s19;
	v2 =	vnsel vm1, $0x7FFFFFFF, v63;
	(ifvalue) =	ssetifvalue $0x7FFFFFFF  }
0x65: {  	s31 =	sadd.s32 $0x6700, s21;
	s30 =	sadd.s32 $0x6680, s21;
	(ifvalue) =	ssetifvalue $0x7FFFFFFF  }
0x66: {  	[tilespmem:s30], [sflag:$0x1] =	stream.indirect_vreg.gather [hbm4b:s3+s11], $0x1, v3, vm0, $0x4038;
	[tilespmem:$0x1A900] =	vst v63  }
0x67: {  	v1 =	vadd.s32 $0x271380, v1;
	s22 =	simm.s32 $0x0;
	s23 =	sadd.s32 $0x6780, s21;
	(ifvalue) =	ssetifvalue $0x7FFFFFFF  }
0x68: {  	v1 =	vnsel vm1, $0x7FFFFFFF, v1;
	s21 =	simm.s32 $0xFFFF9C80;
	s18 =	simm.s32 $0x10;
	(ifvalue) =	ssetifvalue $0x7FFFFFFF  }
0x69: {  	[tilespmem:s31], [sflag:$0x1] =	stream.indirect_vreg.gather [hbm4b:s3+s11], $0x1, v2, vm0, $0x4038;
	[tilespmem:$0x1A900] =	vst v63  }
.LBB2_3:
0x6a: {  	(ifvalue) =	ssetifvalue $0x7FFFFFFF  }
0x6b: {  	s17 =	sadd.s32 $0x80, s17;
	s22 =	sadd.s32 $0x1, s22;
	s24 =	smov.u32 s18  }
0x6c: {  	p1 =	sne.s32 s18, $0xC70;
	s18 =	sadd.s32 $0x10, s18;
	(ifvalue) =	ssetifvalue $0x7FFFFFFF  }
0x6d: {  	[tilespmem:s23], [sflag:$0x1] =	stream.indirect_vreg.gather [hbm4b:s3+s11], $0x1, v1, vm0, $0x4038;
	[tilespmem:$0x1A900] =	vst v63  }
0x6e: {  	v1 =	vld.msk [tilespmem:s19+$0x0 ss:$0x1], $0xffff;
	_ =	sdelay $0x4  }
0x6f: {  	p2 =	sgt.s32 s20, $0x0;
	s23 =	smov.u32 s20;
	vm1 =	vgt.s32 v1, $0x0  }
0x70: {  	s23 =	simm.s32 @!p2 $0x0;
	v1 =	vnsel vm1, $0x0, v1  }
0x71: {  	s23 =	smin.u32 s23, $0x10;
	v1 =	vmin.u32 v1, $0x4E1FF  }
0x72: {  	v2 =	vmov s23;
	v3 =	vshll.u32 v1, $0x3  }
0x73: {  	vm1 =	vgt.u32 v2, v0;
	v1 =	vand.u32 $0x7F, v1;
	v2 =	vand.u32 $0x3FFC00, v3  }
0x74: {  	v1 =	vor.u32 v1, v2  }
0x75: {  	s23 =	sadd.s32 $0x6400, s21;
	v2 =	vnsel vm1, $0x7FFFFFFF, v1  }
0x76: {  	s23 =	sand.u32 $0x7C00, s23;
	v3 =	vor.u32 $0x80, v1;
	v4 =	vor.u32 $0x100, v1;
	v5 =	vor.u32 $0x180, v1  }
0x77: {  	s24 =	sand.u32 $0x70, s24;
	s23 =	sadd.s32 s23, s16;
	v6 =	vor.u32 $0x200, v1;
	v3 =	vnsel vm1, $0x7FFFFFFF, v3;
	v4 =	vnsel vm1, $0x7FFFFFFF, v4;
	(ifvalue) =	ssetifvalue $0x7FFFFFFF  }
0x78: {  	s23 =	sadd.s32 s24, s23;
	v7 =	vor.u32 $0x280, v1;
	v8 =	vor.u32 $0x300, v1;
	v5 =	vnsel vm1, $0x7FFFFFFF, v5;
	(ifvalue) =	ssetifvalue $0x7FFFFFFF  }
0x79: {  	v9 =	vor.u32 $0x380, v1;
	v6 =	vnsel vm1, $0x7FFFFFFF, v6;
	v7 =	vnsel vm1, $0x7FFFFFFF, v7  }
0x7a: {  	v10 =	vadd.s32 $0x271000, v1;
	v11 =	vadd.s32 $0x271100, v1;
	v8 =	vnsel vm1, $0x7FFFFFFF, v8  }
0x7b: {  	[tilespmem:s23], [sflag:$0x1] =	stream.indirect_vreg.gather [hbm4b:s3+s11], $0x1, v2, vm0, $0x4038;
	v2 =	vnsel vm1, $0x7FFFFFFF, v9;
	v9 =	vnsel vm1, $0x7FFFFFFF, v10;
	v10 =	vadd.s32 $0x271080, v1;
	[tilespmem:$0x1A900] =	vst v63  }
0x7c: {  	v12 =	vadd.s32 $0x271180, v1;
	(ifvalue) =	ssetifvalue $0x7FFFFFFF;
	v10 =	vnsel vm1, $0x7FFFFFFF, v10  }
0x7d: {  	s24 =	sadd.s32 $0x80, s23;
	v13 =	vadd.s32 $0x271280, v1;
	v11 =	vnsel vm1, $0x7FFFFFFF, v11;
	(ifvalue) =	ssetifvalue $0x7FFFFFFF  }
0x7e: {  	[tilespmem:s24], [sflag:$0x1] =	stream.indirect_vreg.gather [hbm4b:s3+s11], $0x1, v3, vm0, $0x4038;
	v3 =	vnsel vm1, $0x7FFFFFFF, v12;
	v12 =	vadd.s32 $0x271200, v1;
	[tilespmem:$0x1A900] =	vst v63  }
0x7f: {  	v14 =	vadd.s32 $0x271300, v1;
	v13 =	vnsel vm1, $0x7FFFFFFF, v13;
	(ifvalue) =	ssetifvalue $0x7FFFFFFF;
	v12 =	vnsel vm1, $0x7FFFFFFF, v12  }
0x80: {  	v14 =	vnsel vm1, $0x7FFFFFFF, v14;
	s24 =	sadd.s32 $0x100, s23;
	v1 =	vadd.s32 $0x271380, v1;
	(ifvalue) =	ssetifvalue $0x7FFFFFFF  }
0x81: {  	v1 =	vnsel vm1, $0x7FFFFFFF, v1;
	[tilespmem:s24], [sflag:$0x1] =	stream.indirect_vreg.gather [hbm4b:s3+s11], $0x1, v4, vm0, $0x4038;
	[tilespmem:$0x1A900] =	vst v63  }
0x82: {  	(ifvalue) =	ssetifvalue $0x7FFFFFFF  }
0x83: {  	s24 =	sadd.s32 $0x180, s23;
	(ifvalue) =	ssetifvalue $0x7FFFFFFF  }
0x84: {  	[tilespmem:s24], [sflag:$0x1] =	stream.indirect_vreg.gather [hbm4b:s3+s11], $0x1, v5, vm0, $0x4038;
	[tilespmem:$0x1A900] =	vst v63  }
0x85: {  	(ifvalue) =	ssetifvalue $0x7FFFFFFF  }
0x86: {  	s24 =	sadd.s32 $0x200, s23;
	(ifvalue) =	ssetifvalue $0x7FFFFFFF  }
0x87: {  	[tilespmem:s24], [sflag:$0x1] =	stream.indirect_vreg.gather [hbm4b:s3+s11], $0x1, v6, vm0, $0x4038;
	[tilespmem:$0x1A900] =	vst v63  }
0x88: {  	(ifvalue) =	ssetifvalue $0x7FFFFFFF  }
0x89: {  	s25 =	sadd.s32 $0x280, s23;
	s24 =	sand.u32 $0x7, s22;
	(ifvalue) =	ssetifvalue $0x7FFFFFFF  }
0x8a: {  	[tilespmem:s25], [sflag:$0x1] =	stream.indirect_vreg.gather [hbm4b:s3+s11], $0x1, v7, vm0, $0x4038;
	[tilespmem:$0x1A900] =	vst v63  }
0x8b: {  	s24 =	sshll.u32 s24, $0x4;
	(ifvalue) =	ssetifvalue $0x7FFFFFFF  }
0x8c: {  	s24 =	sadd.s32 s24, s17;
	s25 =	sadd.s32 $0x300, s23;
	(ifvalue) =	ssetifvalue $0x7FFFFFFF  }
0x8d: {  	[tilespmem:s25], [sflag:$0x1] =	stream.indirect_vreg.gather [hbm4b:s3+s11], $0x1, v8, vm0, $0x4038;
	[tilespmem:$0x1A900] =	vst v63  }
0x8e: {  	s24 =	sor.u32 $0x380, s24;
	(ifvalue) =	ssetifvalue $0x7FFFFFFF  }
0x8f: {  	s24 =	sadd.s32 s24, s16;
	(ifvalue) =	ssetifvalue $0x7FFFFFFF  }
0x90: {  	[tilespmem:s24], [sflag:$0x1] =	stream.indirect_vreg.gather [hbm4b:s3+s11], $0x1, v2, vm0, $0x4038;
	[tilespmem:$0x1A900] =	vst v63  }
0x91: {  	(ifvalue) =	ssetifvalue $0x7FFFFFFF  }
0x92: {  	s24 =	sadd.s32 $0x6400, s23;
	(ifvalue) =	ssetifvalue $0x7FFFFFFF  }
0x93: {  	[tilespmem:s24], [sflag:$0x1] =	stream.indirect_vreg.gather [hbm4b:s3+s11], $0x1, v9, vm0, $0x4038;
	[tilespmem:$0x1A900] =	vst v63  }
0x94: {  	(ifvalue) =	ssetifvalue $0x7FFFFFFF  }
0x95: {  	s24 =	sadd.s32 $0x6480, s23;
	(ifvalue) =	ssetifvalue $0x7FFFFFFF  }
0x96: {  	[tilespmem:s24], [sflag:$0x1] =	stream.indirect_vreg.gather [hbm4b:s3+s11], $0x1, v10, vm0, $0x4038;
	[tilespmem:$0x1A900] =	vst v63  }
0x97: {  	(ifvalue) =	ssetifvalue $0x7FFFFFFF  }
0x98: {  	s24 =	sadd.s32 $0x6500, s23;
	(ifvalue) =	ssetifvalue $0x7FFFFFFF  }
0x99: {  	[tilespmem:s24], [sflag:$0x1] =	stream.indirect_vreg.gather [hbm4b:s3+s11], $0x1, v11, vm0, $0x4038;
	[tilespmem:$0x1A900] =	vst v63  }
0x9a: {  	(ifvalue) =	ssetifvalue $0x7FFFFFFF  }
0x9b: {  	s25 =	sadd.s32 $0x6600, s23;
	s24 =	sadd.s32 $0x6580, s23;
	(ifvalue) =	ssetifvalue $0x7FFFFFFF  }
0x9c: {  	[tilespmem:s24], [sflag:$0x1] =	stream.indirect_vreg.gather [hbm4b:s3+s11], $0x1, v3, vm0, $0x4038;
	[tilespmem:$0x1A900] =	vst v63  }
0x9d: {  	(ifvalue) =	ssetifvalue $0x7FFFFFFF  }
0x9e: {  	s24 =	sadd.s32 $0x6680, s23;
	(ifvalue) =	ssetifvalue $0x7FFFFFFF  }
0x9f: {  	[tilespmem:s25], [sflag:$0x1] =	stream.indirect_vreg.gather [hbm4b:s3+s11], $0x1, v12, vm0, $0x4038;
	[tilespmem:$0x1A900] =	vst v63  }
0xa0: {  	(ifvalue) =	ssetifvalue $0x7FFFFFFF  }
.Ltmp3:
0xa1: {  	s25 =	sadd.s32 $0x6700, s23;
	(ifvalue) =	ssetifvalue $0x7FFFFFFF;
	(pc) =	sbr.rel @p1 .LBB2_3-.Ltmp3, $4  }
0xa2: {  	[tilespmem:s24], [sflag:$0x1] =	stream.indirect_vreg.gather [hbm4b:s3+s11], $0x1, v13, vm0, $0x4038;
	[tilespmem:$0x1A900] =	vst v63  }
0xa3: {  	s20 =	sadd.s32 $0xFFFFFFF0, s20;
	s19 =	sadd.s32 $0x10, s19;
	(ifvalue) =	ssetifvalue $0x7FFFFFFF  }
0xa4: {  	s21 =	sadd.s32 $0x80, s21;
	s23 =	sadd.s32 $0x6780, s23;
	(ifvalue) =	ssetifvalue $0x7FFFFFFF  }
0xa5: {  	[tilespmem:s25], [sflag:$0x1] =	stream.indirect_vreg.gather [hbm4b:s3+s11], $0x1, v14, vm0, $0x4038;
	[tilespmem:$0x1A900] =	vst v63  }
.Ltmp4:
0xa6: {  	_ = 	snop;
	(pc) =	sbr.rel .LBB2_4-.Ltmp4, $1  }
0xa7: {  	_ =	sdelay $0x3  }
.LBB2_6:
0xa8: {  	_ =	sfence.sel $0x180000  }
0xa9: {  	s2 =	simm.s32 $0x2;
	[bflag:$0x0] =	sbarrier.arrive $0xFFFF  }
0xaa: {  	s30 =	simm.s32 $0x3;
	[sflag:s2] =	ssyncpa.u1 $0x1  }
0xab: {  	s31 =	simm.s32 $0x1;
	[sflag:s30] =	ssyncpa.u1 $0x1  }
0xac: {  	[sflag:s31] =	ssyncpa.u1 $0x1  }
0xad: {  	p0 =	sne.s32 s0, $0x0;
	_ =	strace $0x9000004D  }
0xae: {  	s0 =	sadd.s32 @!p0 $0x100000, s1;
	[bflag:$0x2] =	sbarrier.arrive $0xFFFF  }
0xaf: {  	[sflag:s0] =	ssyncadd.tile.s32 @!p0 $0x1;
	_ =	shalt  }
.Lfunc_end2:
_tile_overlayer_lowered:
.L_overlay_start_2:
0xb0: {  	(tag) =	ssettag $0x2  }
0xb1: {  	s0 =	rddreg [dreg:$0x0];
	s2 =	stileid.u32  }
0xb2: {  	s1 =	rddreg [dreg:$0x1];
	p0 =	sne.s32 s2, $0x0  }
0xb3: {  	s3 =	rddreg [dreg:$0x2];
	[bflag:$0x3] =	sbarrier.arrive $0xFFFF;
	s2 =	simm.s32 @!p0 $0x1C01  }
0xb4: {  	[timem:s3], [sflag:s2] =	dma.local @!p0 [hbm:s0], s1  }
0xb5: {  	s0 =	simm.s32 @!p0 $0x1  }
0xb6: {  	_ =	swait.ge @!p0 [sflag:s0], s1  }
0xb7: {  	s1 =	ssub.s32 @!p0 $0x0, s1;
	[sflag:s0] =	ssyncset.done @!p0 $0x0  }
0xb8: {  	[sflag:s0] =	ssyncadd.s32 @!p0 s1  }
0xb9: {  	[bflag:$0x3] =	sbarrier.arrive $0xFFFF  }
0xba: {  	_ =	shalt  }

// kernel: gather_offload_async_start.2
scs
__scs_entry_jumppad:
0x0: {  	(pc) =	sbr.rel $0x88, $3  }
0x1: {  	(tag) =	ssettag $0x0;
	lr =	simm.s32 $0x1  }
0x2: {  	[smem:$0x3F9A] =	sst lr;
	_ =	strace $0xD0000000  }
0x3: {  	_ = 	snop  }
0x4: {  	_ = 	snop  }
0x5: {  	_ = 	snop  }
0x6: {  	_ = 	snop  }
0x7: {  	_ = 	snop  }
__scs_overlays_trampoline_lowered:
0x8: {  	[smem:$0x3FA9] =	sst s0  }
0x9: {  	[smem:$0x3FAA] =	sst s1  }
0xa: {  	[smem:$0x3FAB] =	sst s2  }
0xb: {  	[smem:$0x3FAC] =	sst s3  }
0xc: {  	[smem:$0x3FAD] =	sst s4  }
0xd: {  	[smem:$0x3FAE] =	sst s5  }
0xe: {  	[smem:$0x3FAF] =	sst s6  }
0xf: {  	[smem:$0x3FB0] =	sst s7  }
0x10: {  	[smem:$0x3FB1] =	sst s8  }
0x11: {  	[smem:$0x3FB2] =	sst s9;
	s0 =	simm.s32 @!p0 $0x0  }
0x12: {  	s1 =	sld [smem:$0x3F98];
	s0 =	simm.s32 @p0 $0x1  }
0x13: {  	[smem:$0x3FB3] =	sst s0;
	s0 =	simm.s32 @!p1 $0x0  }
0x14: {  	s2 =	sld [smem:$0x3F97];
	s0 =	simm.s32 @p1 $0x1  }
0x15: {  	[smem:$0x3FB4] =	sst s0;
	s0 =	simm.s32 @!p2 $0x0  }
0x16: {  	s3 =	sld [smem:$0x3FDB];
	s0 =	simm.s32 @p2 $0x1  }
0x17: {  	s4 =	simm.s32 $0x1BF5;
	[smem:$0x3FB6] =	sst s0  }
0x18: {  	s0 =	sld [smem:$0x3F99];
	_ =	swait.ge [sflag:s4], $0x0  }
0x19: {  	s7 =	sld [smem:$0x3F9A]  }
0x1a: {  	s8 =	sadd.s32 $0xFFFFE003, lr  }
0x1b: {  	s9 =	sadd.s32 $0xFFFFFEF7, lr;
	s5 =	simm.s32 $0xFFFFFFFF;
	p2 =	slt.u32 s8, $0xFFFFF086  }
0x1c: {  	p1 =	slt.u32 s9, $0xF7A;
	s5 =	simm.s32 @!p2 $0x0  }
0x1d: {  	s5 =	simm.s32 @p1 $0x1;
	p0 =	seq.s32 s7, s2  }
0x1e: {  	s7 =	smul.u32 @!p0 $0xF7A, s2;
	p2 =	seq.s32 @!p0 s5, $0x0  }
0x1f: {  	s9 =	smul.u32 $0xF7A, s1;
	s8 =	simm.s32 @!p0 $0x1BF5;
	p2 =	por !p2, p0  }
0x20: {  	[sflag:s8] =	ssyncset.s32 @!p0 $0xFFFFF086;
	s6 =	sadd.s32 @!p0 s3, s7;
	s7 =	simm.s32 @!p0 $0x108  }
0x21: {  	s3 =	sadd.s32 s3, s9;
	s6 =	sadd.s32 @!p0 $0x88, s6;
	s7 =	simm.s32 @p2 $0x1082  }
0x22: {  	[simem:s7], [sflag:s8] =	dma.local @!p0 [hbm:s6], $0xF7A  }
0x23: {  	s9 =	sor.u32 $0xD0000000, s2;
	s6 =	simm.s32 $0x108;
	_ =	swait.ge @!p0 [sflag:s8], $0x0  }
0x24: {  	s3 =	sadd.s32 $0x88, s3;
	s6 =	simm.s32 @!p1 $0x1082;
	[sflag:s4] =	ssyncset.s32 $0xFFFFF086  }
0x25: {  	[simem:s6], [sflag:s4] =	dma.local [hbm:s3], $0xF7A  }
0x26: {  	[smem:$0x3F9A] =	sst s1;
	(tag) =	ssettag s2;
	_ =	strace s9  }
0x27: {  	s1 =	sld [smem:$0x3FAA]  }
0x28: {  	s2 =	sld [smem:$0x3FAB]  }
0x29: {  	s4 =	sld [smem:$0x3FAD]  }
0x2a: {  	p0 =	seq.s32 s5, $0x0;
	s5 =	sld [smem:$0x3FAE]  }
0x2b: {  	s6 =	sld [smem:$0x3FAF]  }
0x2c: {  	s7 =	sld [smem:$0x3FB0]  }
0x2d: {  	s3 =	simm.s32 $0x108;
	s8 =	sld [smem:$0x3FB1]  }
0x2e: {  	s3 =	simm.s32 @!p0 $0x1082;
	s9 =	sld [smem:$0x3FB2]  }
0x2f: {  	lr =	sadd.s32 s0, s3;
	s0 =	sld [smem:$0x3FA9]  }
0x30: {  	s3 =	sld [smem:$0x3FAC]  }
0x31: {  	[smem:$0x3FB5] =	sst s10  }
0x32: {  	s10 =	sld [smem:$0x3FB3];
	_ =	sdelay $0x3  }
0x33: {  	p0 =	seq.s32 s10, $0x1;
	s10 =	sld [smem:$0x3FB5];
	_ =	sdelay $0x3  }
0x34: {  	[smem:$0x3FB5] =	sst s10  }
0x35: {  	s10 =	sld [smem:$0x3FB4];
	_ =	sdelay $0x3  }
0x36: {  	p1 =	seq.s32 s10, $0x1;
	s10 =	sld [smem:$0x3FB5];
	_ =	sdelay $0x3  }
0x37: {  	[smem:$0x3FB5] =	sst s10  }
0x38: {  	s10 =	sld [smem:$0x3FB6]  }
0x39: {  	_ = 	snop;
	(pc) =	sbr.ind lr, $3  }
0x3a: {  	_ = 	snop  }
0x3b: {  	_ = 	snop  }
0x3c: {  	p2 =	seq.s32 s10, $0x1;
	s10 =	sld [smem:$0x3FB5]  }
0x3d: {  	_ =	shalt  }
0x3e: {  	_ =	shalt  }
0x3f: {  	_ =	shalt  }
0x40: {  	_ =	shalt  }
0x41: {  	_ =	shalt  }
0x42: {  	_ =	shalt  }
0x43: {  	_ =	shalt  }
0x44: {  	_ =	shalt  }
0x45: {  	_ =	shalt  }
0x46: {  	_ =	shalt  }
0x47: {  	_ =	shalt  }
0x48: {  	_ =	shalt  }
0x49: {  	_ =	shalt  }
0x4a: {  	_ =	shalt  }
0x4b: {  	_ =	shalt  }
0x4c: {  	_ =	shalt  }
0x4d: {  	_ =	shalt  }
0x4e: {  	_ =	shalt  }
0x4f: {  	_ =	shalt  }
0x50: {  	_ =	shalt  }
0x51: {  	_ =	shalt  }
0x52: {  	_ =	shalt  }
0x53: {  	_ =	shalt  }
0x54: {  	_ =	shalt  }
0x55: {  	_ =	shalt  }
0x56: {  	_ =	shalt  }
0x57: {  	_ =	shalt  }
0x58: {  	_ =	shalt  }
0x59: {  	_ =	shalt  }
0x5a: {  	_ =	shalt  }
0x5b: {  	_ =	shalt  }
0x5c: {  	_ =	shalt  }
0x5d: {  	_ =	shalt  }
0x5e: {  	_ =	shalt  }
0x5f: {  	_ =	shalt  }
0x60: {  	_ =	shalt  }
0x61: {  	_ =	shalt  }
0x62: {  	_ =	shalt  }
0x63: {  	_ =	shalt  }
0x64: {  	_ =	shalt  }
0x65: {  	_ =	shalt  }
0x66: {  	_ =	shalt  }
0x67: {  	_ =	shalt  }
0x68: {  	_ =	shalt  }
0x69: {  	_ =	shalt  }
0x6a: {  	_ =	shalt  }
0x6b: {  	_ =	shalt  }
0x6c: {  	_ =	shalt  }
0x6d: {  	_ =	shalt  }
0x6e: {  	_ =	shalt  }
0x6f: {  	_ =	shalt  }
0x70: {  	_ =	shalt  }
0x71: {  	_ =	shalt  }
0x72: {  	_ =	shalt  }
0x73: {  	_ =	shalt  }
0x74: {  	_ =	shalt  }
0x75: {  	_ =	shalt  }
0x76: {  	_ =	shalt  }
0x77: {  	_ =	shalt  }
0x78: {  	_ =	shalt  }
0x79: {  	_ =	shalt  }
0x7a: {  	_ =	shalt  }
0x7b: {  	_ =	shalt  }
0x7c: {  	_ =	shalt  }
0x7d: {  	_ =	shalt  }
0x7e: {  	_ =	shalt  }
0x7f: {  	_ =	shalt  }
0x80: {  	_ =	shalt  }
0x81: {  	_ =	shalt  }
0x82: {  	_ =	shalt  }
0x83: {  	_ =	shalt  }
0x84: {  	_ =	shalt  }
0x85: {  	_ =	shalt  }
0x86: {  	_ =	shalt  }
0x87: {  	_ =	shalt  }
.Lfunc_end0:
.L_simem_size_0:
called_computation.2_lowered:
.L_overlay_start_0:
0x88: {  	s2 =	sld [smem:$0x3FD9]  }
0x89: {  	s3 =	sld [smem:$0x3FFE];
	_ =	sdelay $0x1  }
0x8a: {  	s1 =	srdreg.scid  }
0x8b: {  	s0 =	sand.u32 $0x1, s1  }
0x8c: {  	s15 =	sshll.u32 s0, $0xA;
	s2 =	sadd.s32 s3, s2  }
0x8d: {  	s2 =	sadd.s32 s2, s15  }
0x8e: {  	[smem:$0x3FC1] =	sst s2  }
0x8f: {  	_ = 	snop  }
0x90: {  	s16 =	sld [smem:$0x3FD0];
	_ =	sdelay $0x2  }
0x91: {  	s4 =	simm.s32 $0xC;
	s5 =	simm.s32 $0x10;
	s2 =	sld [smem:$0x3FC8]  }
0x92: {  	[smem:s5], [sflag:s4] =	dma.local [hbm:s16], $0x1  }
0x93: {  	_ =	swait.eq [sflag:s4], $0x1  }
0x94: {  	[sflag:s4] =	ssyncset.done $0x0  }
0x95: {  	[sflag:s4] =	ssyncadd.s32 $0xFFFFFFFF  }
0x96: {  	s17 =	sld [smem:$0x10];
	(tm) =	ssettm $0x1  }
0x97: {  	s18 =	sld [smem:$0x3FFB];
	_ =	sdelay $0x3  }
0x98: {  	_ =	strace s18  }
0x99: {  	s3 =	sld [smem:$0x3FFC];
	_ =	sdelay $0x3  }
0x9a: {  	_ =	strace s3  }
0x9b: {  	s3 =	sld [smem:$0x3FFD];
	_ =	sdelay $0x3  }
0x9c: {  	_ =	strace s3  }
0x9d: {  	_ =	strace $0x8FFFFFFF  }
0x9e: {  	s19 =	sld [smem:$0x3FDB];
	_ =	sdelay $0x1  }
0x9f: {  	s20 =	simm.s32 $_scs_section_size  }
0xa0: {  	s6 =	simm.s32 $_size__tile_overlayer_lowered;
	s7 =	simm.s32 $_tile_overlayer_lowered  }
0xa1: {  	s8 =	simm.s32 $0x1BFF;
	s21 =	sshll.u32 s7, $0x1;
	s5 =	sadd.s32 s20, s19  }
0xa2: {  	s22 =	simm.s32 $0x0;
	s6 =	sshll.u32 s6, $0x1;
	s7 =	sadd.s32 s21, s5  }
0xa3: {  	[timem:s22], [sflag:s8] =	dma.local [hbm:s7], s6  }
0xa4: {  	_ =	swait.ge [sflag:s8], s6  }
0xa5: {  	s6 =	ssub.s32 $0x0, s6;
	[sflag:s8] =	ssyncset.done $0x0  }
0xa6: {  	[sflag:s8] =	ssyncadd.s32 s6;
	_ =	sdelay $0x1  }
0xa7: {  	s23 =	simm.s32 $0x1B8B  }
0xa8: {  	_ =	swait.ge [sflag:s23], $0x1  }
0xa9: {  	[sflag:s23] =	ssyncset.done $0x0  }
0xaa: {  	[sflag:s23] =	ssyncadd.s32 $0xFFFFFFFF  }
0xab: {  	s6 =	sld [smem:$0x0]  }
0xac: {  	s7 =	sand.u32 $0xFFFFFFFE, s1  }
0xad: {  	p0 =	sne.s32 s1, s7  }
0xae: {  	s7 =	sshll.u32 @p0 s7, $0xE  }
0xaf: {  	s7 =	sadd.s32 @p0 $0x11B8D, s7;
	s8 =	sshll.u32 @p0 s6, $0x11  }
0xb0: {  	s7 =	sor.u32 @p0 s8, s7  }
0xb1: {  	[sflag:s7] =	ssyncadd.remote.s32 @p0 $0x1;
	_ =	sdelay $0x1  }
0xb2: {  	s7 =	simm.s32 @p0 $0x1B8D  }
0xb3: {  	_ =	swait.eq @p0 [sflag:s7], $0x1  }
0xb4: {  	[sflag:s7] =	ssyncadd.s32 @p0 $0xFFFFFFFF  }
0xb5: {  	s8 =	sshll.u32 @!p0 s1, $0xE  }
0xb6: {  	s8 =	sor.u32 @!p0 $0x4000, s8;
	s7 =	simm.s32 @!p0 $0x1B8D  }
0xb7: {  	s6 =	sshll.u32 @!p0 s6, $0x11;
	s8 =	sadd.s32 @!p0 $0x11B8D, s8;
	_ =	swait.eq @!p0 [sflag:s7], $0x1  }
0xb8: {  	s6 =	sor.u32 @!p0 s6, s8;
	[sflag:s7] =	ssyncadd.s32 @!p0 $0xFFFFFFFF  }
0xb9: {  	s25 =	simm.s32 $0x1B8E;
	s24 =	sld [smem:$0x3FFE];
	[sflag:s6] =	ssyncadd.remote.s32 @!p0 $0x1  }
0xba: {  	s26 =	simm.s32 $execute0_lowered;
	[smem:$0x3FD2] =	sst s25  }
0xbb: {  	s7 =	sshll.u32 s26, $0x1;
	_ =	strace $0x80000049;
	[dreg:$0x1] =	wrdreg $0xFFFFFFFF  }
0xbc: {  	s28 =	simm.s32 $_size_execute0_lowered;
	s5 =	sadd.s32 s5, s7;
	[dreg:$0x0] =	wrdreg $0x0  }
0xbd: {  	s7 =	sshll.u32 s28, $0x1;
	[dreg:$0x2] =	wrdreg s5  }
0xbe: {  	[dreg:$0x3] =	wrdreg s7  }
0xbf: {  	[dreg:$0x4] =	wrdreg $0xC0  }
0xc0: {  	_ =	task [dreg:s22], $0x5FFFF  }
0xc1: {  	[dreg:$0x1] =	wrdreg $0xFFFFFFFF  }
0xc2: {  	[dreg:$0x0] =	wrdreg $0x60  }
0xc3: {  	[dreg:$0x2] =	wrdreg s2  }
0xc4: {  	[dreg:$0x3] =	wrdreg s24  }
0xc5: {  	[dreg:$0x4] =	wrdreg s17  }
0xc6: {  	[dreg:$0x5] =	wrdreg $0xB  }
0xc7: {  	_ =	task.clear_ibuf [dreg:s22], $0x6FFFF;
	_ =	strace $0x90000049  }
0xc8: {  	s29 =	simm.s32 $0xB;
	_ =	strace $0x8000004B  }
0xc9: {  	_ =	swait.ge [sflag:s29], $0x1  }
0xca: {  	[sflag:s29] =	ssyncadd.s32 $0xFFFFFFFF  }
0xcb: {  	_ =	strace $0x9000004B  }
0xcc: {  	_ =	sfence  }
0xcd: {  	s30 =	sld [smem:$0x0];
	_ =	sdelay $0x2  }
0xce: {  	s31 =	sshll.u32 s1, $0xD;
	s1 =	sshrl.u32 s1, $0x2  }
0xcf: {  	s4 =	sand.u32 $0x4000, s31;
	s1 =	sadd.s32 s1, s30  }
0xd0: {  	s0 =	sor.u32 s4, s0;
	s1 =	sshll.u32 s1, $0x11  }
0xd1: {  	s0 =	sor.u32 s1, s0  }
0xd2: {  	s0 =	sadd.s32 $0x8F2B, s0  }
0xd3: {  	[sflag:s0] =	ssyncadd.remote.s32 $0x1  }
0xd4: {  	_ =	sfence.sel $0xFFFF  }
0xd5: {  	[dreg:$0x0] =	wrdreg $0xFFFFFFFF;
	(pc) =	sbr.abs _section_cstart, $3  }
0xd6: {  	[dreg:$0x1] =	wrdreg $0xFFFFFFFF  }
0xd7: {  	_ =	task.clear_ibuf [dreg:s22], $0x2FFFF;
	_ =	strace $0x9FFFFFFF  }
0xd8: {  	(tm) =	ssettm $0x7FFFFFFF  }
0xd9: {  	_ =	shalt  }
tec
execute0_lowered:
.L_overlay_start_1:
0x0: {  	(tag) =	ssettag $0x1  }
0x1: {  	s2 =	rddreg [dreg:$0x0]  }
0x2: {  	s4 =	rddreg [dreg:$0x1];
	s0 =	stileid.u32  }
0x3: {  	s1 =	srdreg.scid;
	s3 =	rddreg [dreg:$0x2]  }
0x4: {  	s9 =	simm.s32 $0x1;
	s10 =	simm.s32 $0x3;
	s13 =	simm.s32 $0x0  }
0x5: {  	s12 =	simm.s32 $0x0;
	s5 =	sand.u32 $0x1, s1;
	s6 =	sshll.u32 s0, $0x1  }
0x6: {  	s1 =	rddreg [dreg:$0x3];
	_ =	strace $0x8000004A;
	s7 =	sor.u32 s6, s5  }
0x7: {  	s4 =	sadd.s32 $0x9E00, s4;
	s6 =	simm.s32 $0x1;
	s5 =	smul.u32 $0x1900, s7  }
0x8: {  	p0 =	slt.u32 s7, $0x9;
	s7 =	simm.s32 $0x32000;
	[sflag:s6] =	ssyncpa.u1 $0x0  }
.Ltmp0:
0x9: {  	s7 =	simm.s32 @!p0 $0x0;
	s8 =	ssub.s32 $0x3E800, s5;
	(pc) =	sbr.rel .LBB2_1-.Ltmp0, $4  }
0xa: {  	s9 =	simm.s32 @!p0 $0x0;
	p0 =	sne.s32 s8, s7;
	s8 =	simm.s32 $0x1  }
0xb: {  	s11 =	smov.u32 s5;
	s7 =	simm.s32 $0x2;
	s8 =	simm.s32 @!p0 $0x0  }
0xc: {  	[sflag:s7] =	ssyncpa.u1 $0x0;
	p0 =	por $0x0, $0x0;
	s8 =	sadd.s32 s9, s8  }
0xd: {  	vm0 =	vmmov $0xffff;
	v0 =	vlaneseq.u32;
	[sflag:s10] =	ssyncpa.u1 $0x0;
	s10 =	simm.s32 $0x0;
	s9 =	sadd.s32 $0x1, s8  }
.LBB2_4:
0xe: {  	vm1 =	vgt.s32 v1, $0x0;
	s15 =	sadd.s32 $0xFFFFFFF0, s15  }
0xf: {  	v1 =	vnsel vm1, $0x0, v1;
	p1 =	sgt.s32 s15, $0x0  }
0x10: {  	v1 =	vmin.u32 v1, $0x4E1FF;
	s15 =	simm.s32 @!p1 $0x0  }
0x11: {  	v2 =	vshll.u32 v1, $0x1;
	s15 =	smin.u32 s15, $0x10  }
0x12: {  	v1 =	vand.u32 $0x7F, v1;
	v2 =	vand.u32 $0xFFF00, v2;
	v3 =	vmov s15  }
0x13: {  	v1 =	vor.u32 v1, v2;
	vm1 =	vgt.u32 v3, v0  }
0x14: {  	v2 =	vnsel vm1, $0x7FFFFFFF, v1;
	_ =	sdelay $0x1  }
0x15: {  	s29 =	sand.u32 $0x3F00, s17;
	s16 =	sadd.s32 $0x10, s16;
	v1 =	vor.u32 $0x80, v1  }
0x16: {  	(ifvalue) =	ssetifvalue $0x7FFFFFFF;
	s16 =	sand.u32 $0x70, s16;
	s15 =	sadd.s32 s29, s14;
	v1 =	vnsel vm1, $0x7FFFFFFF, v1  }
0x17: {  	(ifvalue) =	ssetifvalue $0x7FFFFFFF;
	s15 =	sadd.s32 s16, s15  }
0x18: {  	[tilespmem:s15], [sflag:$0x1] =	stream.indirect_vreg.gather [hbm4b:s2+s10], $0x1, v2, vm0, $0x4038;
	[tilespmem:$0x9600] =	vst v63  }
0x19: {  	(ifvalue) =	ssetifvalue $0x7FFFFFFF  }
0x1a: {  	s30 =	sshll.u32 s13, $0x1;
	s15 =	sadd.s32 $0x80, s15;
	(ifvalue) =	ssetifvalue $0x7FFFFFFF  }
0x1b: {  	[tilespmem:s15], [sflag:$0x1] =	stream.indirect_vreg.gather [hbm4b:s2+s10], $0x1, v1, vm0, $0x4038;
	[tilespmem:$0x9600] =	vst v63  }
0x1c: {  	s31 =	sand.u32 $0x78, s13;
	s15 =	sand.u32 $0xFFFFFF00, s30  }
0x1d: {  	_ =	swait.ge [sflag:s6], $0x3200;
	s13 =	sor.u32 s31, s15  }
0x1e: {  	[sflag:s6] =	ssyncset.done $0x0;
	s13 =	sshrl.u32 s13, $0x3  }
0x1f: {  	[sflag:s6] =	ssyncadd.s32 $0xFFFFCE00;
	s13 =	sadd.s32 s3, s13  }
0x20: {  	[hbm:s13] =	stream.linear.scatter [tilespmem:s14], [sflag:$0x3], $0x3200, $0x38;
	[tilespmem:$0x9600] =	vst v63  }
.LBB2_5:
0x21: {  	s15 =	sadd.s32 $0x32000, s11  }
0x22: {  	p2 =	sgt.s32 s15, $0x3E7FF  }
0x23: {  	s15 =	smov.u32 @p2 s5;
	p2 =	sne.s32 s12, s9  }
.Ltmp1:
0x24: {  	p1 =	slt.u32 s12, $0x2;
	(pc) =	sbr.rel @!p2 .LBB2_6-.Ltmp1, $4  }
0x25: {  	s14 =	simm.s32 @!p1 $0x3  }
0x26: {  	s16 =	sadd.s32 $0x1, s12;
	_ =	swait.ge @!p1 [sflag:s14], $0x3200  }
0x27: {  	s13 =	smov.u32 s11;
	p0 =	por !p0, !p0;
	[sflag:s14] =	ssyncset.done @!p1 $0x0  }
0x28: {  	s12 =	smov.u32 s16;
	s11 =	smov.u32 s15;
	[sflag:s14] =	ssyncadd.s32 @!p1 $0xFFFFCE00  }
.LBB2_1:
0x29: {  	p1 =	sge.u32 s12, s8  }
0x2a: {  	s14 =	sxor.u32 @!p1 $0x1, s12  }
0x2b: {  	s14 =	smul.u32 @!p1 $0x6400, s14  }
0x2c: {  	s31 =	sadd.s32 $0xFFFFFFFF, s12;
	s15 =	sshrl.u32 @!p1 s11, $0x3  }
0x2d: {  	s16 =	sand.u32 @!p1 $0x7, s11;
	s15 =	sadd.s32 @!p1 s4, s15;
	s14 =	sshra.s32 @!p1 s14, $0x2  }
0x2e: {  	[tilespmem:s14], [sflag:$0x2] =	stream.linear.gather @!p1 [hbm4b:s15+s16], $0x1900, $0x38;
	[tilespmem:$0x9600] =	vst v63  }
0x2f: {  	p1 =	sge.u32 s31, s8  }
.Ltmp2:
0x30: {  	_ = 	snop;
	(pc) =	sbr.rel @p1 .LBB2_5-.Ltmp2, $1  }
0x31: {  	_ =	sdelay $0x3  }
0x32: {  	s14 =	simm.s32 $0x1  }
0x33: {  	s14 =	simm.s32 @!p0 $0x0  }
0x34: {  	_ =	swait.ge [sflag:s7], $0x1900;
	s14 =	smul.u32 $0x6400, s14  }
0x35: {  	[sflag:s7] =	ssyncset.done $0x0  }
0x36: {  	[sflag:s7] =	ssyncadd.s32 $0xFFFFE700;
	s17 =	sshrl.u32 s14, $0x2  }
0x37: {  	v1 =	vld.msk [tilespmem:s17+$0x0 ss:$0x1], $0xffff;
	_ =	sdelay $0x2  }
0x38: {  	s15 =	ssub.s32 $0x3E800, s13  }
0x39: {  	p1 =	slt.s32 s15, $0x1900  }
0x3a: {  	s15 =	simm.s32 @!p1 $0x1900;
	vm1 =	vgt.s32 v1, $0x0  }
0x3b: {  	p1 =	sgt.s32 s15, $0x0;
	s14 =	smov.u32 s15;
	v1 =	vnsel vm1, $0x0, v1  }
0x3c: {  	s14 =	simm.s32 @!p1 $0x0;
	v1 =	vmin.u32 v1, $0x4E1FF  }
0x3d: {  	s14 =	smin.u32 s14, $0x10;
	v2 =	vshll.u32 v1, $0x1  }
0x3e: {  	s16 =	sand.u32 $0x1, s12;
	v3 =	vmov s14;
	v1 =	vand.u32 $0x7F, v1;
	v2 =	vand.u32 $0xFFF00, v2  }
0x3f: {  	s31 =	smul.u32 $0xC800, s16;
	vm1 =	vgt.u32 v3, v0;
	v1 =	vor.u32 v1, v2  }
0x40: {  	v2 =	vnsel vm1, $0x7FFFFFFF, v1  }
0x41: {  	s16 =	simm.s32 $0x0;
	s14 =	sshrl.u32 s31, $0x2  }
0x42: {  	s18 =	sand.u32 $0x3F00, s16;
	s14 =	sadd.s32 $0x3200, s14;
	v1 =	vor.u32 $0x80, v1  }
0x43: {  	s19 =	sand.u32 $0x70, s16;
	(ifvalue) =	ssetifvalue $0x7FFFFFFF;
	s18 =	sadd.s32 s18, s14;
	v1 =	vnsel vm1, $0x7FFFFFFF, v1  }
0x44: {  	(ifvalue) =	ssetifvalue $0x7FFFFFFF;
	s18 =	sadd.s32 s19, s18  }
0x45: {  	[tilespmem:s18], [sflag:$0x1] =	stream.indirect_vreg.gather [hbm4b:s2+s10], $0x1, v2, vm0, $0x4038;
	[tilespmem:$0x9600] =	vst v63  }
0x46: {  	(ifvalue) =	ssetifvalue $0x7FFFFFFF  }
0x47: {  	s18 =	sadd.s32 $0x80, s18;
	(ifvalue) =	ssetifvalue $0x7FFFFFFF  }
0x48: {  	[tilespmem:s18], [sflag:$0x1] =	stream.indirect_vreg.gather [hbm4b:s2+s10], $0x1, v1, vm0, $0x4038;
	[tilespmem:$0x9600] =	vst v63  }
0x49: {  	s18 =	sadd.s32 $0x10, s17  }
0x4a: {  	v1 =	vld.msk [tilespmem:s18+$0x0 ss:$0x1], $0xffff  }
0x4b: {  	s19 =	simm.s32 $0x40;
	s17 =	simm.s32 $0x20  }
.LBB2_3:
0x4c: {  	p1 =	sne.s32 s19, $0x31E0;
	_ =	sdelay $0x2  }
0x4d: {  	vm1 =	vgt.s32 v1, $0x0;
	s15 =	sadd.s32 $0xFFFFFFF0, s15  }
0x4e: {  	v1 =	vnsel vm1, $0x0, v1;
	p2 =	sgt.s32 s15, $0x0;
	s20 =	smov.u32 s15  }
0x4f: {  	v1 =	vmin.u32 v1, $0x4E1FF;
	s20 =	simm.s32 @!p2 $0x0  }
0x50: {  	v2 =	vshll.u32 v1, $0x1;
	s20 =	smin.u32 s20, $0x10  }
0x51: {  	v1 =	vand.u32 $0x7F, v1;
	v2 =	vand.u32 $0xFFF00, v2;
	v3 =	vmov s20  }
0x52: {  	v1 =	vor.u32 v1, v2;
	vm1 =	vgt.u32 v3, v0  }
0x53: {  	v2 =	vnsel vm1, $0x7FFFFFFF, v1;
	_ =	sdelay $0x1  }
0x54: {  	s16 =	sadd.s32 $0x10, s16;
	s20 =	sand.u32 $0x3F00, s17;
	s17 =	smov.u32 s19;
	v1 =	vor.u32 $0x80, v1  }
0x55: {  	s21 =	sand.u32 $0x70, s16;
	s20 =	sadd.s32 s20, s14;
	v1 =	vnsel vm1, $0x7FFFFFFF, v1;
	(ifvalue) =	ssetifvalue $0x7FFFFFFF  }
0x56: {  	s20 =	sadd.s32 s21, s20;
	(ifvalue) =	ssetifvalue $0x7FFFFFFF  }
0x57: {  	[tilespmem:s20], [sflag:$0x1] =	stream.indirect_vreg.gather [hbm4b:s2+s10], $0x1, v2, vm0, $0x4038;
	[tilespmem:$0x9600] =	vst v63  }
0x58: {  	s18 =	sadd.s32 $0x10, s18;
	(ifvalue) =	ssetifvalue $0x7FFFFFFF  }
.Ltmp3:
0x59: {  	s20 =	sadd.s32 $0x80, s20;
	(ifvalue) =	ssetifvalue $0x7FFFFFFF;
	(pc) =	sbr.rel @p1 .LBB2_3-.Ltmp3, $3  }
0x5a: {  	[tilespmem:s20], [sflag:$0x1] =	stream.indirect_vreg.gather [hbm4b:s2+s10], $0x1, v1, vm0, $0x4038;
	[tilespmem:$0x9600] =	vst v63  }
0x5b: {  	v1 =	vld.msk [tilespmem:s18+$0x0 ss:$0x1], $0xffff;
	_ =	sdelay $0x1  }
0x5c: {  	s19 =	sadd.s32 $0x20, s19  }
.Ltmp4:
0x5d: {  	_ = 	snop;
	(pc) =	sbr.rel .LBB2_4-.Ltmp4, $1  }
0x5e: {  	_ =	sdelay $0x3  }
.LBB2_6:
0x5f: {  	_ =	sfence.sel $0x180000  }
0x60: {  	s2 =	simm.s32 $0x2;
	[bflag:$0x0] =	sbarrier.arrive $0xFFFF  }
0x61: {  	s30 =	simm.s32 $0x3;
	[sflag:s2] =	ssyncpa.u1 $0x1  }
0x62: {  	s31 =	simm.s32 $0x1;
	[sflag:s30] =	ssyncpa.u1 $0x1  }
0x63: {  	[sflag:s31] =	ssyncpa.u1 $0x1  }
0x64: {  	p0 =	sne.s32 s0, $0x0;
	_ =	strace $0x9000004A  }
0x65: {  	s0 =	sadd.s32 @!p0 $0x100000, s1;
	[bflag:$0x2] =	sbarrier.arrive $0xFFFF  }
0x66: {  	[sflag:s0] =	ssyncadd.tile.s32 @!p0 $0x1;
	_ =	shalt  }
.Lfunc_end2:
_tile_overlayer_lowered:
.L_overlay_start_2:
0x67: {  	(tag) =	ssettag $0x2  }
0x68: {  	s0 =	rddreg [dreg:$0x0];
	s2 =	stileid.u32  }
0x69: {  	s1 =	rddreg [dreg:$0x1];
	p0 =	sne.s32 s2, $0x0  }
0x6a: {  	s3 =	rddreg [dreg:$0x2];
	[bflag:$0x3] =	sbarrier.arrive $0xFFFF;
	s2 =	simm.s32 @!p0 $0x1C01  }
0x6b: {  	[timem:s3], [sflag:s2] =	dma.local @!p0 [hbm:s0], s1  }
0x6c: {  	s0 =	simm.s32 @!p0 $0x1  }
0x6d: {  	_ =	swait.ge @!p0 [sflag:s0], s1  }
0x6e: {  	s1 =	ssub.s32 @!p0 $0x0, s1;
	[sflag:s0] =	ssyncset.done @!p0 $0x0  }
0x6f: {  	[sflag:s0] =	ssyncadd.s32 @!p0 s1  }
0x70: {  	[bflag:$0x3] =	sbarrier.arrive $0xFFFF  }
0x71: {  	_ =	shalt  }

// kernel: gather_offload_async_start
scs
__scs_entry_jumppad:
0x0: {  	(pc) =	sbr.rel $0x88, $3  }
0x1: {  	(tag) =	ssettag $0x0;
	lr =	simm.s32 $0x1  }
0x2: {  	[smem:$0x3F9A] =	sst lr;
	_ =	strace $0xD0000000  }
0x3: {  	_ = 	snop  }
0x4: {  	_ = 	snop  }
0x5: {  	_ = 	snop  }
0x6: {  	_ = 	snop  }
0x7: {  	_ = 	snop  }
__scs_overlays_trampoline_lowered:
0x8: {  	[smem:$0x3FA9] =	sst s0  }
0x9: {  	[smem:$0x3FAA] =	sst s1  }
0xa: {  	[smem:$0x3FAB] =	sst s2  }
0xb: {  	[smem:$0x3FAC] =	sst s3  }
0xc: {  	[smem:$0x3FAD] =	sst s4  }
0xd: {  	[smem:$0x3FAE] =	sst s5  }
0xe: {  	[smem:$0x3FAF] =	sst s6  }
0xf: {  	[smem:$0x3FB0] =	sst s7  }
0x10: {  	[smem:$0x3FB1] =	sst s8  }
0x11: {  	[smem:$0x3FB2] =	sst s9;
	s0 =	simm.s32 @!p0 $0x0  }
0x12: {  	s1 =	sld [smem:$0x3F98];
	s0 =	simm.s32 @p0 $0x1  }
0x13: {  	[smem:$0x3FB3] =	sst s0;
	s0 =	simm.s32 @!p1 $0x0  }
0x14: {  	s2 =	sld [smem:$0x3F97];
	s0 =	simm.s32 @p1 $0x1  }
0x15: {  	[smem:$0x3FB4] =	sst s0;
	s0 =	simm.s32 @!p2 $0x0  }
0x16: {  	s3 =	sld [smem:$0x3FDB];
	s0 =	simm.s32 @p2 $0x1  }
0x17: {  	s4 =	simm.s32 $0x1BF5;
	[smem:$0x3FB6] =	sst s0  }
0x18: {  	s0 =	sld [smem:$0x3F99];
	_ =	swait.ge [sflag:s4], $0x0  }
0x19: {  	s7 =	sld [smem:$0x3F9A]  }
0x1a: {  	s8 =	sadd.s32 $0xFFFFE003, lr  }
0x1b: {  	s9 =	sadd.s32 $0xFFFFFEF7, lr;
	s5 =	simm.s32 $0xFFFFFFFF;
	p2 =	slt.u32 s8, $0xFFFFF086  }
0x1c: {  	p1 =	slt.u32 s9, $0xF7A;
	s5 =	simm.s32 @!p2 $0x0  }
0x1d: {  	s5 =	simm.s32 @p1 $0x1;
	p0 =	seq.s32 s7, s2  }
0x1e: {  	s7 =	smul.u32 @!p0 $0xF7A, s2;
	p2 =	seq.s32 @!p0 s5, $0x0  }
0x1f: {  	s9 =	smul.u32 $0xF7A, s1;
	s8 =	simm.s32 @!p0 $0x1BF5;
	p2 =	por !p2, p0  }
0x20: {  	[sflag:s8] =	ssyncset.s32 @!p0 $0xFFFFF086;
	s6 =	sadd.s32 @!p0 s3, s7;
	s7 =	simm.s32 @!p0 $0x108  }
0x21: {  	s3 =	sadd.s32 s3, s9;
	s6 =	sadd.s32 @!p0 $0x88, s6;
	s7 =	simm.s32 @p2 $0x1082  }
0x22: {  	[simem:s7], [sflag:s8] =	dma.local @!p0 [hbm:s6], $0xF7A  }
0x23: {  	s9 =	sor.u32 $0xD0000000, s2;
	s6 =	simm.s32 $0x108;
	_ =	swait.ge @!p0 [sflag:s8], $0x0  }
0x24: {  	s3 =	sadd.s32 $0x88, s3;
	s6 =	simm.s32 @!p1 $0x1082;
	[sflag:s4] =	ssyncset.s32 $0xFFFFF086  }
0x25: {  	[simem:s6], [sflag:s4] =	dma.local [hbm:s3], $0xF7A  }
0x26: {  	[smem:$0x3F9A] =	sst s1;
	(tag) =	ssettag s2;
	_ =	strace s9  }
0x27: {  	s1 =	sld [smem:$0x3FAA]  }
0x28: {  	s2 =	sld [smem:$0x3FAB]  }
0x29: {  	s4 =	sld [smem:$0x3FAD]  }
0x2a: {  	p0 =	seq.s32 s5, $0x0;
	s5 =	sld [smem:$0x3FAE]  }
0x2b: {  	s6 =	sld [smem:$0x3FAF]  }
0x2c: {  	s7 =	sld [smem:$0x3FB0]  }
0x2d: {  	s3 =	simm.s32 $0x108;
	s8 =	sld [smem:$0x3FB1]  }
0x2e: {  	s3 =	simm.s32 @!p0 $0x1082;
	s9 =	sld [smem:$0x3FB2]  }
0x2f: {  	lr =	sadd.s32 s0, s3;
	s0 =	sld [smem:$0x3FA9]  }
0x30: {  	s3 =	sld [smem:$0x3FAC]  }
0x31: {  	[smem:$0x3FB5] =	sst s10  }
0x32: {  	s10 =	sld [smem:$0x3FB3];
	_ =	sdelay $0x3  }
0x33: {  	p0 =	seq.s32 s10, $0x1;
	s10 =	sld [smem:$0x3FB5];
	_ =	sdelay $0x3  }
0x34: {  	[smem:$0x3FB5] =	sst s10  }
0x35: {  	s10 =	sld [smem:$0x3FB4];
	_ =	sdelay $0x3  }
0x36: {  	p1 =	seq.s32 s10, $0x1;
	s10 =	sld [smem:$0x3FB5];
	_ =	sdelay $0x3  }
0x37: {  	[smem:$0x3FB5] =	sst s10  }
0x38: {  	s10 =	sld [smem:$0x3FB6]  }
0x39: {  	_ = 	snop;
	(pc) =	sbr.ind lr, $3  }
0x3a: {  	_ = 	snop  }
0x3b: {  	_ = 	snop  }
0x3c: {  	p2 =	seq.s32 s10, $0x1;
	s10 =	sld [smem:$0x3FB5]  }
0x3d: {  	_ =	shalt  }
0x3e: {  	_ =	shalt  }
0x3f: {  	_ =	shalt  }
0x40: {  	_ =	shalt  }
0x41: {  	_ =	shalt  }
0x42: {  	_ =	shalt  }
0x43: {  	_ =	shalt  }
0x44: {  	_ =	shalt  }
0x45: {  	_ =	shalt  }
0x46: {  	_ =	shalt  }
0x47: {  	_ =	shalt  }
0x48: {  	_ =	shalt  }
0x49: {  	_ =	shalt  }
0x4a: {  	_ =	shalt  }
0x4b: {  	_ =	shalt  }
0x4c: {  	_ =	shalt  }
0x4d: {  	_ =	shalt  }
0x4e: {  	_ =	shalt  }
0x4f: {  	_ =	shalt  }
0x50: {  	_ =	shalt  }
0x51: {  	_ =	shalt  }
0x52: {  	_ =	shalt  }
0x53: {  	_ =	shalt  }
0x54: {  	_ =	shalt  }
0x55: {  	_ =	shalt  }
0x56: {  	_ =	shalt  }
0x57: {  	_ =	shalt  }
0x58: {  	_ =	shalt  }
0x59: {  	_ =	shalt  }
0x5a: {  	_ =	shalt  }
0x5b: {  	_ =	shalt  }
0x5c: {  	_ =	shalt  }
0x5d: {  	_ =	shalt  }
0x5e: {  	_ =	shalt  }
0x5f: {  	_ =	shalt  }
0x60: {  	_ =	shalt  }
0x61: {  	_ =	shalt  }
0x62: {  	_ =	shalt  }
0x63: {  	_ =	shalt  }
0x64: {  	_ =	shalt  }
0x65: {  	_ =	shalt  }
0x66: {  	_ =	shalt  }
0x67: {  	_ =	shalt  }
0x68: {  	_ =	shalt  }
0x69: {  	_ =	shalt  }
0x6a: {  	_ =	shalt  }
0x6b: {  	_ =	shalt  }
0x6c: {  	_ =	shalt  }
0x6d: {  	_ =	shalt  }
0x6e: {  	_ =	shalt  }
0x6f: {  	_ =	shalt  }
0x70: {  	_ =	shalt  }
0x71: {  	_ =	shalt  }
0x72: {  	_ =	shalt  }
0x73: {  	_ =	shalt  }
0x74: {  	_ =	shalt  }
0x75: {  	_ =	shalt  }
0x76: {  	_ =	shalt  }
0x77: {  	_ =	shalt  }
0x78: {  	_ =	shalt  }
0x79: {  	_ =	shalt  }
0x7a: {  	_ =	shalt  }
0x7b: {  	_ =	shalt  }
0x7c: {  	_ =	shalt  }
0x7d: {  	_ =	shalt  }
0x7e: {  	_ =	shalt  }
0x7f: {  	_ =	shalt  }
0x80: {  	_ =	shalt  }
0x81: {  	_ =	shalt  }
0x82: {  	_ =	shalt  }
0x83: {  	_ =	shalt  }
0x84: {  	_ =	shalt  }
0x85: {  	_ =	shalt  }
0x86: {  	_ =	shalt  }
0x87: {  	_ =	shalt  }
.Lfunc_end0:
.L_simem_size_0:
called_computation_lowered:
.L_overlay_start_0:
0x88: {  	s2 =	sld [smem:$0x3FD9]  }
0x89: {  	s3 =	sld [smem:$0x3FFE];
	_ =	sdelay $0x1  }
0x8a: {  	s1 =	srdreg.scid  }
0x8b: {  	s0 =	sand.u32 $0x1, s1  }
0x8c: {  	s14 =	sshll.u32 s0, $0xA;
	s2 =	sadd.s32 s3, s2  }
0x8d: {  	s2 =	sadd.s32 s2, s14  }
0x8e: {  	[smem:$0x3FC1] =	sst s2  }
0x8f: {  	_ = 	snop  }
0x90: {  	s2 =	sld [smem:$0x3FD0];
	_ =	sdelay $0x2  }
0x91: {  	s15 =	simm.s32 $0xC;
	s4 =	simm.s32 $0x10  }
0x92: {  	[smem:s4], [sflag:s15] =	dma.local [hbm:s2], $0x1  }
0x93: {  	_ =	swait.eq [sflag:s15], $0x1  }
0x94: {  	[sflag:s15] =	ssyncset.done $0x0  }
0x95: {  	[sflag:s15] =	ssyncadd.s32 $0xFFFFFFFF  }
0x96: {  	s16 =	sld [smem:$0x12];
	(tm) =	ssettm $0x1  }
0x97: {  	s17 =	sld [smem:$0x3FFB];
	_ =	sdelay $0x3  }
0x98: {  	_ =	strace s17  }
0x99: {  	s3 =	sld [smem:$0x3FFC];
	_ =	sdelay $0x3  }
0x9a: {  	_ =	strace s3  }
0x9b: {  	s3 =	sld [smem:$0x3FFD];
	_ =	sdelay $0x3  }
0x9c: {  	_ =	strace s3  }
0x9d: {  	_ =	strace $0x8FFFFFFF  }
0x9e: {  	s18 =	sld [smem:$0x3FDB];
	_ =	sdelay $0x1  }
0x9f: {  	s19 =	simm.s32 $_scs_section_size  }
0xa0: {  	s5 =	simm.s32 $_size__tile_overlayer_lowered;
	s6 =	simm.s32 $_tile_overlayer_lowered  }
0xa1: {  	s22 =	simm.s32 $0x1BFF;
	s21 =	sshll.u32 s6, $0x1;
	s3 =	sadd.s32 s19, s18  }
0xa2: {  	s7 =	simm.s32 $0x0;
	s20 =	sshll.u32 s5, $0x1;
	s5 =	sadd.s32 s21, s3  }
0xa3: {  	[timem:s7], [sflag:s22] =	dma.local [hbm:s5], s20  }
0xa4: {  	_ =	swait.ge [sflag:s22], s20  }
0xa5: {  	s4 =	ssub.s32 $0x0, s20;
	[sflag:s22] =	ssyncset.done $0x0  }
0xa6: {  	[sflag:s22] =	ssyncadd.s32 s4;
	_ =	sdelay $0x1  }
0xa7: {  	s23 =	simm.s32 $0x1B8B  }
0xa8: {  	_ =	swait.ge [sflag:s23], $0x1  }
0xa9: {  	[sflag:s23] =	ssyncset.done $0x0  }
0xaa: {  	s25 =	simm.s32 $0x1B8E;
	s24 =	sld [smem:$0x3FFE];
	[sflag:s23] =	ssyncadd.s32 $0xFFFFFFFF  }
0xab: {  	s26 =	simm.s32 $execute0_lowered;
	[smem:$0x3FD2] =	sst s25  }
0xac: {  	s5 =	sshll.u32 s26, $0x1;
	_ =	strace $0x80000046;
	[dreg:$0x1] =	wrdreg $0xFFFFFFFF  }
0xad: {  	s28 =	simm.s32 $_size_execute0_lowered;
	s3 =	sadd.s32 s3, s5;
	[dreg:$0x0] =	wrdreg $0x0  }
0xae: {  	s5 =	sshll.u32 s28, $0x1;
	[dreg:$0x2] =	wrdreg s3  }
0xaf: {  	[dreg:$0x3] =	wrdreg s5  }
0xb0: {  	[dreg:$0x4] =	wrdreg $0xC0  }
0xb1: {  	_ =	task [dreg:s7], $0x5FFFF  }
0xb2: {  	[dreg:$0x1] =	wrdreg $0xFFFFFFFF  }
0xb3: {  	[dreg:$0x0] =	wrdreg $0x60  }
0xb4: {  	[dreg:$0x2] =	wrdreg s24  }
0xb5: {  	[dreg:$0x3] =	wrdreg s16  }
0xb6: {  	[dreg:$0x4] =	wrdreg $0x9  }
0xb7: {  	_ =	task.clear_ibuf [dreg:s7], $0x5FFFF;
	_ =	strace $0x90000046  }
0xb8: {  	s29 =	simm.s32 $0x9;
	_ =	strace $0x80000048  }
0xb9: {  	_ =	swait.ge [sflag:s29], $0x1  }
0xba: {  	[sflag:s29] =	ssyncadd.s32 $0xFFFFFFFF  }
0xbb: {  	_ =	strace $0x90000048  }
0xbc: {  	_ =	sfence  }
0xbd: {  	s30 =	sld [smem:$0x0];
	_ =	sdelay $0x2  }
0xbe: {  	s31 =	sshll.u32 s1, $0xD;
	s1 =	sshrl.u32 s1, $0x2  }
0xbf: {  	s3 =	sand.u32 $0x4000, s31;
	s1 =	sadd.s32 s1, s30  }
0xc0: {  	s0 =	sor.u32 s3, s0;
	s1 =	sshll.u32 s1, $0x11  }
0xc1: {  	s0 =	sor.u32 s1, s0  }
0xc2: {  	s0 =	sadd.s32 $0x8F2B, s0  }
0xc3: {  	[sflag:s0] =	ssyncadd.remote.s32 $0x1  }
0xc4: {  	_ =	sfence.sel $0xFFFF  }
0xc5: {  	[dreg:$0x0] =	wrdreg $0xFFFFFFFF;
	(pc) =	sbr.abs _section_cstart, $3  }
0xc6: {  	[dreg:$0x1] =	wrdreg $0xFFFFFFFF  }
0xc7: {  	_ =	task.clear_ibuf [dreg:s7], $0x2FFFF;
	_ =	strace $0x9FFFFFFF  }
0xc8: {  	(tm) =	ssettm $0x7FFFFFFF  }
0xc9: {  	_ =	shalt  }
tec
execute0_lowered:
.L_overlay_start_1:
0x0: {  	(tag) =	ssettag $0x1  }
0x1: {  	s2 =	rddreg [dreg:$0x0]  }
0x2: {  	s0 =	stileid.u32;
	s1 =	srdreg.scid  }
0x3: {  	s3 =	rddreg [dreg:$0x1];
	s8 =	simm.s32 $0x1;
	s9 =	simm.s32 $0x3  }
0x4: {  	s10 =	simm.s32 $0x0;
	s4 =	sand.u32 $0x1, s1;
	s5 =	sshll.u32 s0, $0x1  }
0x5: {  	s13 =	simm.s32 $0x0;
	s12 =	simm.s32 $0x0;
	s6 =	sor.u32 s5, s4  }
0x6: {  	s1 =	rddreg [dreg:$0x2];
	_ =	strace $0x80000047;
	s4 =	smul.u32 $0x1900, s6  }
0x7: {  	s5 =	simm.s32 $0x1;
	p0 =	slt.u32 s6, $0x9;
	s6 =	simm.s32 $0x32000  }
.Ltmp0:
0x8: {  	s6 =	simm.s32 @!p0 $0x0;
	s7 =	ssub.s32 $0x3E800, s4;
	(pc) =	sbr.rel .LBB2_1-.Ltmp0, $4  }
0x9: {  	s8 =	simm.s32 @!p0 $0x0;
	p0 =	sne.s32 s7, s6;
	s7 =	simm.s32 $0x1  }
0xa: {  	[sflag:s5] =	ssyncpa.u1 $0x0;
	s6 =	simm.s32 $0x2;
	s7 =	simm.s32 @!p0 $0x0  }
0xb: {  	s11 =	smov.u32 s4;
	[sflag:s6] =	ssyncpa.u1 $0x0;
	s7 =	sadd.s32 s8, s7  }
0xc: {  	vm0 =	vmmov $0xffff;
	s8 =	sadd.s32 $0x9E00, s2;
	[sflag:s9] =	ssyncpa.u1 $0x0;
	s9 =	sadd.s32 $0x1, s7  }
.LBB2_4:
0xd: {  	v2 =	vnsel vm1, $0x0, v2  }
0xe: {  	vm1 =	vgt.s32 v0, $0x0;
	v2 =	vmin.u32 v2, $0x4E1FF  }
0xf: {  	v0 =	vnsel vm1, $0x0, v0  }
0x10: {  	v0 =	vmin.u32 v0, $0x4E1FF  }
0x11: {  	[tilespmem:s18], [sflag:$0x1] =	stream.indirect_vreg.gather [hbm4b:s2+s10], $0x1, v1, vm0, $0x4038;
	[tilespmem:$0x6400] =	vst v63  }
0x12: {  	(ifvalue) =	ssetifvalue $0x7FFFFFFF  }
0x13: {  	[tilespmem:s15], [sflag:$0x1] =	stream.indirect_vreg.gather [hbm4b:s2+s10], $0x1, v2, vm0, $0x4038;
	[tilespmem:$0x6400] =	vst v63  }
0x14: {  	s29 =	sadd.s32 $0x10, s15;
	(ifvalue) =	ssetifvalue $0x7FFFFFFF  }
0x15: {  	[tilespmem:s29], [sflag:$0x1] =	stream.indirect_vreg.gather [hbm4b:s2+s10], $0x1, v0, vm0, $0x4038;
	[tilespmem:$0x6400] =	vst v63  }
0x16: {  	_ =	swait.ge [sflag:s5], $0x1900  }
0x17: {  	s30 =	sshrl.u32 s13, $0x3;
	[sflag:s5] =	ssyncset.done $0x0  }
0x18: {  	s31 =	sand.u32 $0x7, s13;
	s15 =	sadd.s32 s3, s30;
	[sflag:s5] =	ssyncadd.s32 $0xFFFFE700  }
0x19: {  	[hbm4b:s15+s31] =	stream.linear.scatter [tilespmem:s14], [sflag:$0x3], $0x1900, $0x38;
	[tilespmem:$0x6400] =	vst v63  }
.LBB2_5:
0x1a: {  	s15 =	sadd.s32 $0x32000, s11  }
0x1b: {  	p1 =	sgt.s32 s15, $0x3E7FF  }
0x1c: {  	s15 =	smov.u32 @p1 s4;
	p1 =	sne.s32 s12, s9  }
.Ltmp1:
0x1d: {  	p0 =	slt.u32 s12, $0x2;
	(pc) =	sbr.rel @!p1 .LBB2_6-.Ltmp1, $4  }
0x1e: {  	s14 =	simm.s32 @!p0 $0x3  }
0x1f: {  	_ =	swait.ge @!p0 [sflag:s14], $0x1900  }
0x20: {  	s16 =	sadd.s32 $0x1, s12;
	s13 =	smov.u32 s11;
	[sflag:s14] =	ssyncset.done @!p0 $0x0  }
0x21: {  	s12 =	smov.u32 s16;
	s11 =	smov.u32 s15;
	[sflag:s14] =	ssyncadd.s32 @!p0 $0xFFFFE700  }
.LBB2_1:
0x22: {  	p0 =	sge.u32 s12, s7  }
0x23: {  	s14 =	sxor.u32 @!p0 $0x1, s12  }
0x24: {  	s14 =	smul.u32 @!p0 $0x6400, s14  }
0x25: {  	s31 =	sadd.s32 $0xFFFFFFFF, s12;
	s15 =	sshrl.u32 @!p0 s11, $0x3  }
0x26: {  	s16 =	sand.u32 @!p0 $0x7, s11;
	s15 =	sadd.s32 @!p0 s8, s15;
	s14 =	sshra.s32 @!p0 s14, $0x2  }
0x27: {  	[tilespmem:s14], [sflag:$0x2] =	stream.linear.gather @!p0 [hbm4b:s15+s16], $0x1900, $0x38;
	[tilespmem:$0x6400] =	vst v63  }
0x28: {  	p0 =	sge.u32 s31, s7  }
.Ltmp2:
0x29: {  	_ = 	snop;
	(pc) =	sbr.rel @p0 .LBB2_5-.Ltmp2, $1  }
0x2a: {  	_ =	sdelay $0x3  }
0x2b: {  	s14 =	sand.u32 $0x1, s12  }
0x2c: {  	_ =	swait.ge [sflag:s6], $0x1900;
	p0 =	seq.s32 s14, $0x1;
	s14 =	simm.s32 $0x1900  }
0x2d: {  	[sflag:s6] =	ssyncset.done $0x0;
	s14 =	simm.s32 @!p0 $0x0  }
0x2e: {  	[sflag:s6] =	ssyncadd.s32 $0xFFFFE700;
	(ifvalue) =	ssetifvalue $0x7FFFFFFF;
	v0 =	vld.msk [tilespmem:s14+$0x0 ss:$0x1], $0xffff;
	_ =	sdelay $0x4  }
0x2f: {  	s15 =	sadd.s32 $0x10, s14;
	vm1 =	vgt.s32 v0, $0x0  }
0x30: {  	v2 =	vld.msk [tilespmem:s15+$0x0 ss:$0x1], $0xffff;
	v1 =	vnsel vm1, $0x0, v0  }
0x31: {  	v1 =	vmin.u32 v1, $0x4E1FF;
	_ =	sdelay $0x2  }
0x32: {  	s17 =	simm.s32 $0x20;
	s14 =	sadd.s32 $0x3200, s14;
	s16 =	sadd.s32 $0x10, s15  }
0x33: {  	s15 =	sadd.s32 $0x10, s14;
	s18 =	smov.u32 s14;
	v0 =	vld.msk [tilespmem:s16+$0x0 ss:$0x1], $0xffff;
	vm1 =	vgt.s32 v2, $0x0;
	(ifvalue) =	ssetifvalue $0x7FFFFFFF  }
.LBB2_3:
0x34: {  	[tilespmem:s18], [sflag:$0x1] =	stream.indirect_vreg.gather [hbm4b:s2+s10], $0x1, v1, vm0, $0x4038;
	[tilespmem:$0x6400] =	vst v63  }
0x35: {  	s17 =	sadd.s32 $0x10, s17  }
0x36: {  	v2 =	vnsel vm1, $0x0, v2;
	p0 =	slt.u32 s17, $0x18F0  }
.Ltmp3:
0x37: {  	s18 =	smov.u32 s15;
	v1 =	vmin.u32 v2, $0x4E1FF;
	(pc) =	sbr.rel @p0 .LBB2_3-.Ltmp3, $3  }
0x38: {  	_ =	sdelay $0x1  }
0x39: {  	s16 =	sadd.s32 $0x10, s16  }
0x3a: {  	vm1 =	vgt.s32 v0, $0x0;
	s15 =	sadd.s32 $0x10, s15;
	v2 =	vmov v0;
	(ifvalue) =	ssetifvalue $0x7FFFFFFF;
	v0 =	vld.msk [tilespmem:s16+$0x0 ss:$0x1], $0xffff  }
.Ltmp4:
0x3b: {  	_ = 	snop;
	(pc) =	sbr.rel .LBB2_4-.Ltmp4, $1  }
0x3c: {  	_ =	sdelay $0x3  }
.LBB2_6:
0x3d: {  	_ =	sfence.sel $0x180000  }
0x3e: {  	s2 =	simm.s32 $0x2;
	[bflag:$0x0] =	sbarrier.arrive $0xFFFF  }
0x3f: {  	s30 =	simm.s32 $0x3;
	[sflag:s2] =	ssyncpa.u1 $0x1  }
0x40: {  	s31 =	simm.s32 $0x1;
	[sflag:s30] =	ssyncpa.u1 $0x1  }
0x41: {  	[sflag:s31] =	ssyncpa.u1 $0x1  }
0x42: {  	p0 =	sne.s32 s0, $0x0;
	_ =	strace $0x90000047  }
0x43: {  	s0 =	sadd.s32 @!p0 $0x100000, s1;
	[bflag:$0x2] =	sbarrier.arrive $0xFFFF  }
0x44: {  	[sflag:s0] =	ssyncadd.tile.s32 @!p0 $0x1;
	_ =	shalt  }
.Lfunc_end2:
_tile_overlayer_lowered:
.L_overlay_start_2:
0x45: {  	(tag) =	ssettag $0x2  }
0x46: {  	s0 =	rddreg [dreg:$0x0];
	s2 =	stileid.u32  }
0x47: {  	s1 =	rddreg [dreg:$0x1];
	p0 =	sne.s32 s2, $0x0  }
0x48: {  	s3 =	rddreg [dreg:$0x2];
	[bflag:$0x3] =	sbarrier.arrive $0xFFFF;
	s2 =	simm.s32 @!p0 $0x1C01  }
0x49: {  	[timem:s3], [sflag:s2] =	dma.local @!p0 [hbm:s0], s1  }
0x4a: {  	s0 =	simm.s32 @!p0 $0x1  }
0x4b: {  	_ =	swait.ge @!p0 [sflag:s0], s1  }
0x4c: {  	s1 =	ssub.s32 @!p0 $0x0, s1;
	[sflag:s0] =	ssyncset.done @!p0 $0x0  }
0x4d: {  	[sflag:s0] =	ssyncadd.s32 @!p0 s1  }
0x4e: {  	[bflag:$0x3] =	sbarrier.arrive $0xFFFF  }
0x4f: {  	_ =	shalt  }

</sc_bundles>
